<compile_context>
chip_gen: v7x
topology: tpu7x:2x2x1
jax: 0.10.2.dev20260603
libtpu: 0.0.44.dev20260713+nightly
codegen_flags: <defaults>
</compile_context>

<pallas_src>
import functools

import jax
import jax.numpy as jnp
from jax import lax
from jax.experimental import pallas as pl
from jax.experimental.pallas import tpu as pltpu
from jax.experimental.pallas import tpu_sc as plsc

N = 10000
E = 320000
DREF = 145
D = 160
DH = D // 2
CNT_COL = 145
NPAD = 10240
NT = 16
K = 128
NCH = E // K
CHB = NCH // NT
NEXTRA = NCH - CHB * NT
ROWS_PER_TILE = NPAD // NT
RBLK = 1024


@functools.cache
def _make_sc_aggregate():
    mesh = plsc.VectorSubcoreMesh(core_axis_name="c", subcore_axis_name="s")

    @functools.partial(
        pl.kernel,
        mesh=mesh,
        compiler_params=pltpu.CompilerParams(use_tc_tiling_on_sc=False),
        out_type=jax.ShapeDtypeStruct((2, NPAD, DH), jnp.float32),
        scratch_types=[
            pltpu.VMEM((CHB + 1, K), jnp.int32),
            pltpu.VMEM((CHB + 1, K), jnp.int32),
            pltpu.VMEM((K, DH), jnp.float32),
            pltpu.VMEM((K, DH), jnp.float32),
            pltpu.VMEM((K, DH), jnp.float32),
            pltpu.VMEM_SHARED((NPAD, DH), jnp.float32),
            pltpu.SemaphoreType.DMA,
            pltpu.SemaphoreType.DMA,
        ],
    )
    def agg(h_hbm, ei_hbm, z_hbm, out_hbm, src_v, dst_v, rows0_v, rows1_v,
            rows2_v, acc_sh, gsem, ssem):
        cid = lax.axis_index("c")
        sid = lax.axis_index("s")
        r0 = sid * ROWS_PER_TILE
        pltpu.sync_copy(z_hbm.at[pl.ds(r0, ROWS_PER_TILE)],
                        acc_sh.at[pl.ds(r0, ROWS_PER_TILE)])
        pltpu.sync_copy(ei_hbm.at[0, pl.ds(sid * CHB, CHB)],
                        src_v.at[pl.ds(0, CHB)])
        pltpu.sync_copy(ei_hbm.at[1, pl.ds(sid * CHB, CHB)],
                        dst_v.at[pl.ds(0, CHB)])

        @pl.when(sid < NEXTRA)
        def _():
            pltpu.sync_copy(ei_hbm.at[0, pl.ds(NT * CHB + sid, 1)],
                            src_v.at[pl.ds(CHB, 1)])
            pltpu.sync_copy(ei_hbm.at[1, pl.ds(NT * CHB + sid, 1)],
                            dst_v.at[pl.ds(CHB, 1)])

        plsc.subcore_barrier()

        bufs = (rows0_v, rows1_v, rows2_v)

        def gather(j, buf):
            return pltpu.make_async_copy(h_hbm.at[cid].at[src_v.at[j]], buf, gsem)

        def scatter(j, buf):
            return pltpu.make_async_copy(buf, acc_sh.at[dst_v.at[j]], ssem)

        gather(0, rows0_v).start()
        gather(1, rows1_v).start()

        def body(t, carry):
            for r in range(3):
                j = 3 * t + r
                gather(j, bufs[r]).wait()

                @pl.when(j >= 1)
                def _():
                    scatter(j, bufs[r]).wait()

                @pl.when(j + 2 < CHB)
                def _():
                    gather(j + 2, bufs[(r + 2) % 3]).start()

                scatter(j, bufs[r]).start(add=True)
            return carry

        lax.fori_loop(0, CHB // 3, body, 0)
        scatter(0, rows0_v).wait()

        @pl.when(sid < NEXTRA)
        def _():
            gather(CHB, rows0_v).start()
            gather(CHB, rows0_v).wait()
            pltpu.sync_copy(rows0_v, acc_sh.at[dst_v.at[CHB]], add=True)

        plsc.subcore_barrier()
        pltpu.sync_copy(acc_sh.at[pl.ds(r0, ROWS_PER_TILE)],
                        out_hbm.at[cid, pl.ds(r0, ROWS_PER_TILE)])

    return agg


def _sc_aggregate(hsplit, ei, zeros):
    return _make_sc_aggregate()(hsplit, ei, zeros)


def _mean_and_h(acc_ref, h_ref):
    a = jnp.concatenate([acc_ref[0], acc_ref[1]], axis=1)
    inv = 1.0 / jnp.maximum(a[:, CNT_COL:CNT_COL + 1], 1.0)
    p = a * inv
    h = jnp.concatenate([h_ref[0], h_ref[1]], axis=1)
    return p, h


def _masked_linear(p, h, lm_ref, vlt, wlt, vut, wut, bl, bu):
    f32 = jnp.float32
    lab = (jnp.dot(h, vlt[...], preferred_element_type=f32)
           + jnp.dot(p, wlt[...], preferred_element_type=f32) + bl[...])
    unl = (jnp.dot(h, vut[...], preferred_element_type=f32)
           + jnp.dot(p, wut[...], preferred_element_type=f32) + bu[...])
    lm = lm_ref[...]
    return jnp.maximum(lm * lab + (1.0 - lm) * unl, 0.0)


def _tc_layer_body(acc_ref, h_ref, lm_ref, vlt, wlt, vut, wut, bl, bu, o_ref):
    p, h = _mean_and_h(acc_ref, h_ref)
    res = _masked_linear(p, h, lm_ref, vlt, wlt, vut, wut, bl, bu)
    o_ref[0] = res[:, :DH]
    o_ref[1] = res[:, DH:]


def _tc_final_body(acc_ref, h_ref, lm_ref, vlt, wlt, vut, wut, bl, bu,
                   cwt, cb, o_ref):
    p, h = _mean_and_h(acc_ref, h_ref)
    h1 = _masked_linear(p, h, lm_ref, vlt, wlt, vut, wut, bl, bu)
    logits = jnp.dot(h1, cwt[...], preferred_element_type=jnp.float32) + cb[...]
    m = jnp.max(logits, axis=1, keepdims=True)
    s = logits - m
    o_ref[...] = s - jnp.log(jnp.sum(jnp.exp(s), axis=1, keepdims=True))


def _prep_body(x_ref, o_ref):
    xb = x_ref[...]
    r = xb.shape[0]
    o_ref[0] = xb[:, :DH]
    o_ref[1] = jnp.concatenate(
        [xb[:, DH:DREF],
         jnp.ones((r, 1), jnp.float32),
         jnp.zeros((r, D - DREF - 1), jnp.float32)], axis=1)


def _tc_prep(x):
    grid = (NPAD // RBLK,)
    return pl.pallas_call(
        _prep_body,
        grid=grid,
        in_specs=[pl.BlockSpec((RBLK, DREF), lambda i: (i, 0))],
        out_specs=pl.BlockSpec((2, RBLK, DH), lambda i: (0, i, 0)),
        out_shape=jax.ShapeDtypeStruct((2, NPAD, DH), jnp.float32),
    )(x)


def _row_spec(r, c):
    return pl.BlockSpec((r, c), lambda i: (i, 0))


def _rep_spec(r, c):
    return pl.BlockSpec((r, c), lambda i: (0, 0))


_SPLIT_SPEC = pl.BlockSpec((2, RBLK, DH), lambda i: (0, i, 0))


def _tc_layer(acc, hsplit, lmf, vlt, wlt, vut, wut, bl, bu):
    grid = (NPAD // RBLK,)
    return pl.pallas_call(
        _tc_layer_body,
        grid=grid,
        in_specs=[
            _SPLIT_SPEC,
            _SPLIT_SPEC,
            _row_spec(RBLK, 1),
            _rep_spec(D, D), _rep_spec(D, D), _rep_spec(D, D), _rep_spec(D, D),
            _rep_spec(1, D), _rep_spec(1, D),
        ],
        out_specs=_SPLIT_SPEC,
        out_shape=jax.ShapeDtypeStruct((2, NPAD, DH), jnp.float32),
    )(acc, hsplit, lmf, vlt, wlt, vut, wut, bl, bu)


FBLK = 1000


def _tc_final(acc, hsplit, lmf, vlt, wlt, vut, wut, bl, bu, cwt, cb):
    grid = (N // FBLK,)
    nc = cwt.shape[1]
    return pl.pallas_call(
        _tc_final_body,
        grid=grid,
        in_specs=[
            pl.BlockSpec((2, FBLK, DH), lambda i: (0, i, 0)),
            pl.BlockSpec((2, FBLK, DH), lambda i: (0, i, 0)),
            _row_spec(FBLK, 1),
            _rep_spec(D, D), _rep_spec(D, D), _rep_spec(D, D), _rep_spec(D, D),
            _rep_spec(1, D), _rep_spec(1, D),
            _rep_spec(D, nc), _rep_spec(1, nc),
        ],
        out_specs=_row_spec(FBLK, nc),
        out_shape=jax.ShapeDtypeStruct((N, nc), jnp.float32),
    )(acc, hsplit, lmf, vlt, wlt, vut, wut, bl, bu, cwt, cb)


def _pad_wt(w):
    return jnp.zeros((D, D), jnp.float32).at[:DREF, :DREF].set(w.T)


def _pad_bias(b1, b2):
    return jnp.zeros((1, D), jnp.float32).at[0, :DREF].set(b1 + b2).at[0, CNT_COL].set(1.0)


def kernel(x, edge_index, labelmask,
           l0_VLw, l0_VLb, l0_WLw, l0_WLb, l0_VUw, l0_VUb, l0_WUw, l0_WUb,
           l1_VLw, l1_VLb, l1_WLw, l1_WLb, l1_VUw, l1_VUb, l1_WUw, l1_WUb,
           Cw, Cb):
    hs0 = _tc_prep(x)
    ei3 = edge_index.reshape(2, NCH, K)
    zeros = jnp.zeros((NPAD, DH), jnp.float32)
    lmf = jnp.zeros((NPAD, 1), jnp.float32).at[:N, 0].set(labelmask.astype(jnp.float32))

    l0 = (_pad_wt(l0_VLw), _pad_wt(l0_WLw), _pad_wt(l0_VUw), _pad_wt(l0_WUw),
          _pad_bias(l0_VLb, l0_WLb), _pad_bias(l0_VUb, l0_WUb))
    l1 = (_pad_wt(l1_VLw), _pad_wt(l1_WLw), _pad_wt(l1_VUw), _pad_wt(l1_WUw),
          _pad_bias(l1_VLb, l1_WLb), _pad_bias(l1_VUb, l1_WUb))
    nc = Cw.shape[0]
    cwt = jnp.zeros((D, nc), jnp.float32).at[:DREF].set(Cw.T)
    cb = Cb.reshape(1, nc)

    acc0 = _sc_aggregate(hs0, ei3, zeros)
    hs1 = _tc_layer(acc0, hs0, lmf, *l0)
    acc1 = _sc_aggregate(hs1, ei3, zeros)
    return _tc_final(acc1, hs1, lmf, *l1, cwt, cb)

# --- scband reference (transcript-rebuilt; emitter-appended) ---
"""Pipeline reference for scband-tfgnn-36481452212960 (READ-ONLY COPY).

The authoritative reference and input builder live on the scoring server;
editing this copy changes nothing except your own understanding.
"""

import jax, jax.numpy as jnp
import numpy as np

N = 10000
E = 320000
IN_D = 128
MID_D = 128
NC = 16


def _make_linear(key, out_d, in_d):
    k1, k2 = jax.random.split(key)
    bound = 1.0 / np.sqrt(in_d)
    W = jax.random.uniform(k1, (out_d, in_d), minval=-bound, maxval=bound, dtype=jnp.float32)
    b = jax.random.uniform(k2, (out_d,), minval=-bound, maxval=bound, dtype=jnp.float32)
    return W, b


def _tfinit(params, in_d, out_d, nc):
    lin = jnp.arange(in_d, in_d + nc + 1)
    lout = jnp.arange(out_d, out_d + nc + 1)
    VLw, VLb, WLw, WLb, VUw, VUb, WUw, WUb = params
    VLw = VLw.at[lout, :].set(0.0).at[lout, lin].set(1.0)
    VLb = VLb.at[lout].set(0.0)
    WLw = WLw.at[lout, :].set(0.0)
    WLb = WLb.at[lout].set(0.0)
    VUw = VUw.at[lout, :].set(0.0)
    VUb = VUb.at[lout].set(0.0)
    WUw = WUw.at[lout, :].set(0.0).at[lout, lin].set(1.0)
    WUb = WUb.at[lout].set(0.0)
    return VLw, VLb, WLw, WLb, VUw, VUb, WUw, WUb


def setup_inputs(seed: int = 0):
    key = jax.random.key(seed)
    ks = jax.random.split(key, 40)
    inp = {}
    inp["x"] = jax.random.normal(ks[0], (N, IN_D + NC + 1), dtype=jnp.float32)
    inp["edge_index"] = jax.random.randint(ks[1], (2, E), 0, N, dtype=jnp.int32)
    inp["labelmask"] = jax.random.randint(ks[2], (N,), 0, 2, dtype=jnp.int32).astype(jnp.bool_)
    dims = [(IN_D, MID_D), (MID_D, MID_D)]
    kidx = 3
    for i, (ind, outd) in enumerate(dims):
        l_in = ind + NC + 1
        l_out = outd + NC + 1
        ps = []
        for _ in range(4):
            W, b = _make_linear(ks[kidx], l_out, l_in)
            kidx += 1
            ps.extend([W, b])
        ps = _tfinit(tuple(ps), ind, outd, NC)
        names = ["VLw", "VLb", "WLw", "WLb", "VUw", "VUb", "WUw", "WUb"]
        for nm, p in zip(names, ps):
            inp[f"l{i}_{nm}"] = p
    Cw = jnp.zeros((NC, MID_D + NC + 1), dtype=jnp.float32)
    Cw = Cw.at[jnp.arange(NC), MID_D + 1 + jnp.arange(NC)].set(1.0)
    Cb = jnp.zeros((NC,), dtype=jnp.float32)
    inp["Cw"] = Cw
    inp["Cb"] = Cb
    return inp


def _prop(x, src, dst, n):
    msgs = x[src]
    s = jax.ops.segment_sum(msgs, dst, num_segments=n)
    c = jax.ops.segment_sum(jnp.ones((dst.shape[0],), x.dtype), dst, num_segments=n)
    return s / jnp.clip(c, 1.0)[:, None]


def reference(x, edge_index, labelmask,
              l0_VLw, l0_VLb, l0_WLw, l0_WLb, l0_VUw, l0_VUb, l0_WUw, l0_WUb,
              l1_VLw, l1_VLb, l1_WLw, l1_WLb, l1_VUw, l1_VUb, l1_WUw, l1_WUb,
              Cw, Cb):
    src = edge_index[0]
    dst = edge_index[1]
    n = x.shape[0]
    lm = labelmask.astype(x.dtype)[:, None]
    layers = [
        (l0_VLw, l0_VLb, l0_WLw, l0_WLb, l0_VUw, l0_VUb, l0_WUw, l0_WUb),
        (l1_VLw, l1_VLb, l1_WLw, l1_WLb, l1_VUw, l1_VUb, l1_WUw, l1_WUb),
    ]
    h = x
    for (VLw, VLb, WLw, WLb, VUw, VUb, WUw, WUb) in layers:
        p = _prop(h, src, dst, n)
        lab = (h @ VLw.T + VLb) + (p @ WLw.T + WLb)
        unl = (h @ VUw.T + VUb) + (p @ WUw.T + WUb)
        res = lm * lab + (1.0 - lm) * unl
        h = jax.nn.relu(res)
    logits = h @ Cw.T + Cb
    return jax.nn.log_softmax(logits, axis=1)

if __name__ == "__main__":
    import jax
    _d = setup_inputs()
    print(jax.jit(kernel)(*tuple(_d.values())))

</pallas_src>

<mosaic_0001>
#map = affine_map<(d0, d1) -> (0, 0, 0)>
#map1 = affine_map<(d0, d1) -> (0, 0)>
module attributes {stable_mosaic.version = 14 : i64} {
  func.func @agg(%arg0: i32, %arg1: i32, %arg2: memref<2x10240x80xf32, #tpu.memory_space<hbm>>, %arg3: memref<2x2500x128xi32, #tpu.memory_space<hbm>>, %arg4: memref<10240x80xf32, #tpu.memory_space<hbm>>, %arg5: memref<2x10240x80xf32, #tpu.memory_space<hbm>>, %arg6: memref<157x128xi32, #tpu.memory_space<vmem>>, %arg7: memref<157x128xi32, #tpu.memory_space<vmem>>, %arg8: memref<128x80xf32, #tpu.memory_space<vmem>>, %arg9: memref<128x80xf32, #tpu.memory_space<vmem>>, %arg10: memref<128x80xf32, #tpu.memory_space<vmem>>, %arg11: memref<10240x80xf32, #tpu.memory_space<vmem_shared>>, %arg12: memref<!tpu.dma_semaphore, #tpu.memory_space<semaphore_mem>>, %arg13: memref<!tpu.dma_semaphore, #tpu.memory_space<semaphore_mem>>) attributes {dimension_semantics = [#tpu.dimension_semantics<core_parallel>, #tpu.dimension_semantics<subcore_parallel>], iteration_bounds = array<i64: 2, 16>, scalar_prefetch = 0 : i64, scratch_operands = 8 : i64, tpu.core_type = #tpu.core_type<sc_vector_subcore>, window_params = [{transform_indices = #map}, {transform_indices = #map}, {transform_indices = #map1}, {transform_indices = #map}]} {
    %mul3A = arith.constant 640 : i32
    %mul3A_0 = arith.muli %arg1, %mul3A : i32
    "tpu.region"() ({
      %run_scoped3A_46 = tpu.sem_alloc : memref<!tpu.dma_semaphore, #tpu.memory_space<semaphore_mem>>
      %dma_start3A_47 = arith.constant 0 : i32
      %dma_start3A_48 = tpu.memref_slice %arg11[%mul3A_0, %dma_start3A_47] : memref<10240x80xf32, #tpu.memory_space<vmem_shared>> -> memref<640x80xf32, #tpu.memory_space<vmem_shared>>
      %dma_start3A_49 = arith.constant 0 : i32
      %dma_start3A_50 = tpu.memref_slice %arg4[%mul3A_0, %dma_start3A_49] : memref<10240x80xf32, #tpu.memory_space<hbm>> -> memref<640x80xf32, #tpu.memory_space<hbm>>
      tpu.enqueue_dma source(%dma_start3A_50 : memref<640x80xf32, #tpu.memory_space<hbm>>) target(%dma_start3A_48 : memref<640x80xf32, #tpu.memory_space<vmem_shared>>) target_semaphore(%run_scoped3A_46 : memref<!tpu.dma_semaphore, #tpu.memory_space<semaphore_mem>>)
      %dma_wait3A_51 = arith.constant 0 : i32
      %dma_wait3A_52 = tpu.memref_slice %arg11[%mul3A_0, %dma_wait3A_51] : memref<10240x80xf32, #tpu.memory_space<vmem_shared>> -> memref<640x80xf32, #tpu.memory_space<vmem_shared>>
      %dma_wait3A_53 = arith.constant 0 : i32
      %dma_wait3A_54 = tpu.memref_slice %arg4[%mul3A_0, %dma_wait3A_53] : memref<10240x80xf32, #tpu.memory_space<hbm>> -> memref<640x80xf32, #tpu.memory_space<hbm>>
      tpu.wait_dma2 semaphore(%run_scoped3A_46 : memref<!tpu.dma_semaphore, #tpu.memory_space<semaphore_mem>>) src(%dma_wait3A_54 : memref<640x80xf32, #tpu.memory_space<hbm>>) dst(%dma_wait3A_52 : memref<640x80xf32, #tpu.memory_space<vmem_shared>>)
      tpu.yield
    }) : () -> ()
    %mul3A_1 = arith.constant 156 : i32
    %mul3A_2 = arith.muli %arg1, %mul3A_1 : i32
    %run_scoped3A = arith.constant 0 : i32
    "tpu.region"() ({
      %run_scoped3A_46 = tpu.sem_alloc : memref<!tpu.dma_semaphore, #tpu.memory_space<semaphore_mem>>
      %dma_start3A_47 = arith.constant 0 : i32
      %dma_start3A_48 = arith.constant 0 : i32
      %dma_start3A_49 = tpu.memref_slice %arg6[%dma_start3A_47, %dma_start3A_48] : memref<157x128xi32, #tpu.memory_space<vmem>> -> memref<156x128xi32, #tpu.memory_space<vmem>>
      %dma_start3A_50 = arith.constant 0 : i32
      %dma_start3A_51 = tpu.memref_slice %arg3[%run_scoped3A, %mul3A_2, %dma_start3A_50] : memref<2x2500x128xi32, #tpu.memory_space<hbm>> -> memref<1x156x128xi32, #tpu.memory_space<hbm>>
      %dma_start3A_52 = tpu.memref_squeeze %dma_start3A_51 : memref<1x156x128xi32, #tpu.memory_space<hbm>> -> memref<156x128xi32, #tpu.memory_space<hbm>>
      %dma_start3A_53 = arith.constant 0 : i32
      %dma_start3A_54 = arith.constant 0 : i32
      %dma_start3A_55 = tpu.memref_slice %arg6[%dma_start3A_53, %dma_start3A_54] : memref<157x128xi32, #tpu.memory_space<vmem>> -> memref<156x128xi32, #tpu.memory_space<vmem>>
      %dma_start3A_56 = arith.constant 0 : i32
      %dma_start3A_57 = tpu.memref_slice %arg3[%run_scoped3A, %mul3A_2, %dma_start3A_56] : memref<2x2500x128xi32, #tpu.memory_space<hbm>> -> memref<1x156x128xi32, #tpu.memory_space<hbm>>
      %dma_start3A_58 = tpu.memref_squeeze %dma_start3A_57 : memref<1x156x128xi32, #tpu.memory_space<hbm>> -> memref<156x128xi32, #tpu.memory_space<hbm>>
      tpu.enqueue_dma source(%dma_start3A_58 : memref<156x128xi32, #tpu.memory_space<hbm>>) target(%dma_start3A_55 : memref<156x128xi32, #tpu.memory_space<vmem>>) target_semaphore(%run_scoped3A_46 : memref<!tpu.dma_semaphore, #tpu.memory_space<semaphore_mem>>)
      %dma_wait3A_59 = arith.constant 0 : i32
      %dma_wait3A_60 = arith.constant 0 : i32
      %dma_wait3A_61 = tpu.memref_slice %arg6[%dma_wait3A_59, %dma_wait3A_60] : memref<157x128xi32, #tpu.memory_space<vmem>> -> memref<156x128xi32, #tpu.memory_space<vmem>>
      %dma_wait3A_62 = arith.constant 0 : i32
      %dma_wait3A_63 = tpu.memref_slice %arg3[%run_scoped3A, %mul3A_2, %dma_wait3A_62] : memref<2x2500x128xi32, #tpu.memory_space<hbm>> -> memref<1x156x128xi32, #tpu.memory_space<hbm>>
      %dma_wait3A_64 = tpu.memref_squeeze %dma_wait3A_63 : memref<1x156x128xi32, #tpu.memory_space<hbm>> -> memref<156x128xi32, #tpu.memory_space<hbm>>
      %dma_wait3A_65 = arith.constant 0 : i32
      %dma_wait3A_66 = arith.constant 0 : i32
      %dma_wait3A_67 = tpu.memref_slice %arg6[%dma_wait3A_65, %dma_wait3A_66] : memref<157x128xi32, #tpu.memory_space<vmem>> -> memref<156x128xi32, #tpu.memory_space<vmem>>
      %dma_wait3A_68 = arith.constant 0 : i32
      %dma_wait3A_69 = tpu.memref_slice %arg3[%run_scoped3A, %mul3A_2, %dma_wait3A_68] : memref<2x2500x128xi32, #tpu.memory_space<hbm>> -> memref<1x156x128xi32, #tpu.memory_space<hbm>>
      %dma_wait3A_70 = tpu.memref_squeeze %dma_wait3A_69 : memref<1x156x128xi32, #tpu.memory_space<hbm>> -> memref<156x128xi32, #tpu.memory_space<hbm>>
      tpu.wait_dma2 semaphore(%run_scoped3A_46 : memref<!tpu.dma_semaphore, #tpu.memory_space<semaphore_mem>>) src(%dma_wait3A_70 : memref<156x128xi32, #tpu.memory_space<hbm>>) dst(%dma_wait3A_67 : memref<156x128xi32, #tpu.memory_space<vmem>>)
      tpu.yield
    }) : () -> ()
    %mul3A_3 = arith.constant 156 : i32
    %mul3A_4 = arith.muli %arg1, %mul3A_3 : i32
    %run_scoped3A_5 = arith.constant 1 : i32
    "tpu.region"() ({
      %run_scoped3A_46 = tpu.sem_alloc : memref<!tpu.dma_semaphore, #tpu.memory_space<semaphore_mem>>
      %dma_start3A_47 = arith.constant 0 : i32
      %dma_start3A_48 = arith.constant 0 : i32
      %dma_start3A_49 = tpu.memref_slice %arg7[%dma_start3A_47, %dma_start3A_48] : memref<157x128xi32, #tpu.memory_space<vmem>> -> memref<156x128xi32, #tpu.memory_space<vmem>>
      %dma_start3A_50 = arith.constant 0 : i32
      %dma_start3A_51 = tpu.memref_slice %arg3[%run_scoped3A_5, %mul3A_4, %dma_start3A_50] : memref<2x2500x128xi32, #tpu.memory_space<hbm>> -> memref<1x156x128xi32, #tpu.memory_space<hbm>>
      %dma_start3A_52 = tpu.memref_squeeze %dma_start3A_51 : memref<1x156x128xi32, #tpu.memory_space<hbm>> -> memref<156x128xi32, #tpu.memory_space<hbm>>
      %dma_start3A_53 = arith.constant 0 : i32
      %dma_start3A_54 = arith.constant 0 : i32
      %dma_start3A_55 = tpu.memref_slice %arg7[%dma_start3A_53, %dma_start3A_54] : memref<157x128xi32, #tpu.memory_space<vmem>> -> memref<156x128xi32, #tpu.memory_space<vmem>>
      %dma_start3A_56 = arith.constant 0 : i32
      %dma_start3A_57 = tpu.memref_slice %arg3[%run_scoped3A_5, %mul3A_4, %dma_start3A_56] : memref<2x2500x128xi32, #tpu.memory_space<hbm>> -> memref<1x156x128xi32, #tpu.memory_space<hbm>>
      %dma_start3A_58 = tpu.memref_squeeze %dma_start3A_57 : memref<1x156x128xi32, #tpu.memory_space<hbm>> -> memref<156x128xi32, #tpu.memory_space<hbm>>
      tpu.enqueue_dma source(%dma_start3A_58 : memref<156x128xi32, #tpu.memory_space<hbm>>) target(%dma_start3A_55 : memref<156x128xi32, #tpu.memory_space<vmem>>) target_semaphore(%run_scoped3A_46 : memref<!tpu.dma_semaphore, #tpu.memory_space<semaphore_mem>>)
      %dma_wait3A_59 = arith.constant 0 : i32
      %dma_wait3A_60 = arith.constant 0 : i32
      %dma_wait3A_61 = tpu.memref_slice %arg7[%dma_wait3A_59, %dma_wait3A_60] : memref<157x128xi32, #tpu.memory_space<vmem>> -> memref<156x128xi32, #tpu.memory_space<vmem>>
      %dma_wait3A_62 = arith.constant 0 : i32
      %dma_wait3A_63 = tpu.memref_slice %arg3[%run_scoped3A_5, %mul3A_4, %dma_wait3A_62] : memref<2x2500x128xi32, #tpu.memory_space<hbm>> -> memref<1x156x128xi32, #tpu.memory_space<hbm>>
      %dma_wait3A_64 = tpu.memref_squeeze %dma_wait3A_63 : memref<1x156x128xi32, #tpu.memory_space<hbm>> -> memref<156x128xi32, #tpu.memory_space<hbm>>
      %dma_wait3A_65 = arith.constant 0 : i32
      %dma_wait3A_66 = arith.constant 0 : i32
      %dma_wait3A_67 = tpu.memref_slice %arg7[%dma_wait3A_65, %dma_wait3A_66] : memref<157x128xi32, #tpu.memory_space<vmem>> -> memref<156x128xi32, #tpu.memory_space<vmem>>
      %dma_wait3A_68 = arith.constant 0 : i32
      %dma_wait3A_69 = tpu.memref_slice %arg3[%run_scoped3A_5, %mul3A_4, %dma_wait3A_68] : memref<2x2500x128xi32, #tpu.memory_space<hbm>> -> memref<1x156x128xi32, #tpu.memory_space<hbm>>
      %dma_wait3A_70 = tpu.memref_squeeze %dma_wait3A_69 : memref<1x156x128xi32, #tpu.memory_space<hbm>> -> memref<156x128xi32, #tpu.memory_space<hbm>>
      tpu.wait_dma2 semaphore(%run_scoped3A_46 : memref<!tpu.dma_semaphore, #tpu.memory_space<semaphore_mem>>) src(%dma_wait3A_70 : memref<156x128xi32, #tpu.memory_space<hbm>>) dst(%dma_wait3A_67 : memref<156x128xi32, #tpu.memory_space<vmem>>)
      tpu.yield
    }) : () -> ()
    %lt3A = arith.constant 4 : i32
    %lt3A_6 = arith.cmpi slt, %arg1, %lt3A : i32
    %convert_element_type3A = arith.extui %lt3A_6 : i1 to i32
    %cond3A = arith.constant 0 : i32
    %cond3A_7 = arith.cmpi ne, %convert_element_type3A, %cond3A : i32
    scf.if %cond3A_7 {
      %add3A = arith.constant 2496 : i32
      %add3A_46 = arith.addi %add3A, %arg1 : i32
      %run_scoped3A_47 = arith.constant 0 : i32
      "tpu.region"() ({
        %run_scoped3A_51 = tpu.sem_alloc : memref<!tpu.dma_semaphore, #tpu.memory_space<semaphore_mem>>
        %dma_start3A_52 = arith.constant 156 : i32
        %dma_start3A_53 = arith.constant 0 : i32
        %dma_start3A_54 = tpu.memref_slice %arg6[%dma_start3A_52, %dma_start3A_53] : memref<157x128xi32, #tpu.memory_space<vmem>> -> memref<1x128xi32, #tpu.memory_space<vmem>>
        %dma_start3A_55 = arith.constant 0 : i32
        %dma_start3A_56 = tpu.memref_slice %arg3[%run_scoped3A_47, %add3A_46, %dma_start3A_55] : memref<2x2500x128xi32, #tpu.memory_space<hbm>> -> memref<1x1x128xi32, #tpu.memory_space<hbm>>
        %dma_start3A_57 = tpu.memref_squeeze %dma_start3A_56 : memref<1x1x128xi32, #tpu.memory_space<hbm>> -> memref<1x128xi32, #tpu.memory_space<hbm>>
        %dma_start3A_58 = arith.constant 156 : i32
        %dma_start3A_59 = arith.constant 0 : i32
        %dma_start3A_60 = tpu.memref_slice %arg6[%dma_start3A_58, %dma_start3A_59] : memref<157x128xi32, #tpu.memory_space<vmem>> -> memref<1x128xi32, #tpu.memory_space<vmem>>
        %dma_start3A_61 = arith.constant 0 : i32
        %dma_start3A_62 = tpu.memref_slice %arg3[%run_scoped3A_47, %add3A_46, %dma_start3A_61] : memref<2x2500x128xi32, #tpu.memory_space<hbm>> -> memref<1x1x128xi32, #tpu.memory_space<hbm>>
        %dma_start3A_63 = tpu.memref_squeeze %dma_start3A_62 : memref<1x1x128xi32, #tpu.memory_space<hbm>> -> memref<1x128xi32, #tpu.memory_space<hbm>>
        tpu.enqueue_dma source(%dma_start3A_63 : memref<1x128xi32, #tpu.memory_space<hbm>>) target(%dma_start3A_60 : memref<1x128xi32, #tpu.memory_space<vmem>>) target_semaphore(%run_scoped3A_51 : memref<!tpu.dma_semaphore, #tpu.memory_space<semaphore_mem>>)
        %dma_wait3A_64 = arith.constant 156 : i32
        %dma_wait3A_65 = arith.constant 0 : i32
        %dma_wait3A_66 = tpu.memref_slice %arg6[%dma_wait3A_64, %dma_wait3A_65] : memref<157x128xi32, #tpu.memory_space<vmem>> -> memref<1x128xi32, #tpu.memory_space<vmem>>
        %dma_wait3A_67 = arith.constant 0 : i32
        %dma_wait3A_68 = tpu.memref_slice %arg3[%run_scoped3A_47, %add3A_46, %dma_wait3A_67] : memref<2x2500x128xi32, #tpu.memory_space<hbm>> -> memref<1x1x128xi32, #tpu.memory_space<hbm>>
        %dma_wait3A_69 = tpu.memref_squeeze %dma_wait3A_68 : memref<1x1x128xi32, #tpu.memory_space<hbm>> -> memref<1x128xi32, #tpu.memory_space<hbm>>
        %dma_wait3A_70 = arith.constant 156 : i32
        %dma_wait3A_71 = arith.constant 0 : i32
        %dma_wait3A_72 = tpu.memref_slice %arg6[%dma_wait3A_70, %dma_wait3A_71] : memref<157x128xi32, #tpu.memory_space<vmem>> -> memref<1x128xi32, #tpu.memory_space<vmem>>
        %dma_wait3A_73 = arith.constant 0 : i32
        %dma_wait3A_74 = tpu.memref_slice %arg3[%run_scoped3A_47, %add3A_46, %dma_wait3A_73] : memref<2x2500x128xi32, #tpu.memory_space<hbm>> -> memref<1x1x128xi32, #tpu.memory_space<hbm>>
        %dma_wait3A_75 = tpu.memref_squeeze %dma_wait3A_74 : memref<1x1x128xi32, #tpu.memory_space<hbm>> -> memref<1x128xi32, #tpu.memory_space<hbm>>
        tpu.wait_dma2 semaphore(%run_scoped3A_51 : memref<!tpu.dma_semaphore, #tpu.memory_space<semaphore_mem>>) src(%dma_wait3A_75 : memref<1x128xi32, #tpu.memory_space<hbm>>) dst(%dma_wait3A_72 : memref<1x128xi32, #tpu.memory_space<vmem>>)
        tpu.yield
      }) : () -> ()
      %add3A_48 = arith.constant 2496 : i32
      %add3A_49 = arith.addi %add3A_48, %arg1 : i32
      %run_scoped3A_50 = arith.constant 1 : i32
      "tpu.region"() ({
        %run_scoped3A_51 = tpu.sem_alloc : memref<!tpu.dma_semaphore, #tpu.memory_space<semaphore_mem>>
        %dma_start3A_52 = arith.constant 156 : i32
        %dma_start3A_53 = arith.constant 0 : i32
        %dma_start3A_54 = tpu.memref_slice %arg7[%dma_start3A_52, %dma_start3A_53] : memref<157x128xi32, #tpu.memory_space<vmem>> -> memref<1x128xi32, #tpu.memory_space<vmem>>
        %dma_start3A_55 = arith.constant 0 : i32
        %dma_start3A_56 = tpu.memref_slice %arg3[%run_scoped3A_50, %add3A_49, %dma_start3A_55] : memref<2x2500x128xi32, #tpu.memory_space<hbm>> -> memref<1x1x128xi32, #tpu.memory_space<hbm>>
        %dma_start3A_57 = tpu.memref_squeeze %dma_start3A_56 : memref<1x1x128xi32, #tpu.memory_space<hbm>> -> memref<1x128xi32, #tpu.memory_space<hbm>>
        %dma_start3A_58 = arith.constant 156 : i32
        %dma_start3A_59 = arith.constant 0 : i32
        %dma_start3A_60 = tpu.memref_slice %arg7[%dma_start3A_58, %dma_start3A_59] : memref<157x128xi32, #tpu.memory_space<vmem>> -> memref<1x128xi32, #tpu.memory_space<vmem>>
        %dma_start3A_61 = arith.constant 0 : i32
        %dma_start3A_62 = tpu.memref_slice %arg3[%run_scoped3A_50, %add3A_49, %dma_start3A_61] : memref<2x2500x128xi32, #tpu.memory_space<hbm>> -> memref<1x1x128xi32, #tpu.memory_space<hbm>>
        %dma_start3A_63 = tpu.memref_squeeze %dma_start3A_62 : memref<1x1x128xi32, #tpu.memory_space<hbm>> -> memref<1x128xi32, #tpu.memory_space<hbm>>
        tpu.enqueue_dma source(%dma_start3A_63 : memref<1x128xi32, #tpu.memory_space<hbm>>) target(%dma_start3A_60 : memref<1x128xi32, #tpu.memory_space<vmem>>) target_semaphore(%run_scoped3A_51 : memref<!tpu.dma_semaphore, #tpu.memory_space<semaphore_mem>>)
        %dma_wait3A_64 = arith.constant 156 : i32
        %dma_wait3A_65 = arith.constant 0 : i32
        %dma_wait3A_66 = tpu.memref_slice %arg7[%dma_wait3A_64, %dma_wait3A_65] : memref<157x128xi32, #tpu.memory_space<vmem>> -> memref<1x128xi32, #tpu.memory_space<vmem>>
        %dma_wait3A_67 = arith.constant 0 : i32
        %dma_wait3A_68 = tpu.memref_slice %arg3[%run_scoped3A_50, %add3A_49, %dma_wait3A_67] : memref<2x2500x128xi32, #tpu.memory_space<hbm>> -> memref<1x1x128xi32, #tpu.memory_space<hbm>>
        %dma_wait3A_69 = tpu.memref_squeeze %dma_wait3A_68 : memref<1x1x128xi32, #tpu.memory_space<hbm>> -> memref<1x128xi32, #tpu.memory_space<hbm>>
        %dma_wait3A_70 = arith.constant 156 : i32
        %dma_wait3A_71 = arith.constant 0 : i32
        %dma_wait3A_72 = tpu.memref_slice %arg7[%dma_wait3A_70, %dma_wait3A_71] : memref<157x128xi32, #tpu.memory_space<vmem>> -> memref<1x128xi32, #tpu.memory_space<vmem>>
        %dma_wait3A_73 = arith.constant 0 : i32
        %dma_wait3A_74 = tpu.memref_slice %arg3[%run_scoped3A_50, %add3A_49, %dma_wait3A_73] : memref<2x2500x128xi32, #tpu.memory_space<hbm>> -> memref<1x1x128xi32, #tpu.memory_space<hbm>>
        %dma_wait3A_75 = tpu.memref_squeeze %dma_wait3A_74 : memref<1x1x128xi32, #tpu.memory_space<hbm>> -> memref<1x128xi32, #tpu.memory_space<hbm>>
        tpu.wait_dma2 semaphore(%run_scoped3A_51 : memref<!tpu.dma_semaphore, #tpu.memory_space<semaphore_mem>>) src(%dma_wait3A_75 : memref<1x128xi32, #tpu.memory_space<hbm>>) dst(%dma_wait3A_72 : memref<1x128xi32, #tpu.memory_space<vmem>>)
        tpu.yield
      }) : () -> ()
    } else {
    }
    %barrier3A = arith.constant 0 : index
    tpu.barrier barrier_id(%barrier3A)
    %dma_start3A = arith.constant 0 : i32
    %dma_start3A_8 = arith.constant 0 : i32
    %dma_start3A_9 = tpu.memref_slice %arg6[%dma_start3A, %dma_start3A_8] : memref<157x128xi32, #tpu.memory_space<vmem>> -> memref<1x128xi32, #tpu.memory_space<vmem>>
    %dma_start3A_10 = tpu.memref_squeeze %dma_start3A_9 : memref<1x128xi32, #tpu.memory_space<vmem>> -> memref<128xi32, #tpu.memory_space<vmem>>
    %dma_start3A_11 = arith.constant 0 : i32
    %dma_start3A_12 = arith.constant 0 : i32
    %dma_start3A_13 = tpu.memref_slice %arg2[%arg0, %dma_start3A_11, %dma_start3A_12] : memref<2x10240x80xf32, #tpu.memory_space<hbm>> -> memref<1x10240x80xf32, #tpu.memory_space<hbm>>
    %dma_start3A_14 = tpu.memref_squeeze %dma_start3A_13 : memref<1x10240x80xf32, #tpu.memory_space<hbm>> -> memref<10240x80xf32, #tpu.memory_space<hbm>>
    %dma_start3A_15 = arith.constant 0 : i32
    %dma_start3A_16 = arith.constant 0 : i32
    %dma_start3A_17 = tpu.memref_slice %dma_start3A_14[%dma_start3A_15, %dma_start3A_16] : memref<10240x80xf32, #tpu.memory_space<hbm>> -> memref<10240x80xf32, #tpu.memory_space<hbm>>
    tpu.enqueue_indirect_dma source(%dma_start3A_17 : memref<10240x80xf32, #tpu.memory_space<hbm>>) target(%arg8 : memref<128x80xf32, #tpu.memory_space<vmem>>) offsets(%dma_start3A_10 : memref<128xi32, #tpu.memory_space<vmem>>) semaphore(%arg12 : memref<!tpu.dma_semaphore, #tpu.memory_space<semaphore_mem>>)
    %dma_start3A_18 = arith.constant 1 : i32
    %dma_start3A_19 = arith.constant 0 : i32
    %dma_start3A_20 = tpu.memref_slice %arg6[%dma_start3A_18, %dma_start3A_19] : memref<157x128xi32, #tpu.memory_space<vmem>> -> memref<1x128xi32, #tpu.memory_space<vmem>>
    %dma_start3A_21 = tpu.memref_squeeze %dma_start3A_20 : memref<1x128xi32, #tpu.memory_space<vmem>> -> memref<128xi32, #tpu.memory_space<vmem>>
    %dma_start3A_22 = arith.constant 0 : i32
    %dma_start3A_23 = arith.constant 0 : i32
    %dma_start3A_24 = tpu.memref_slice %arg2[%arg0, %dma_start3A_22, %dma_start3A_23] : memref<2x10240x80xf32, #tpu.memory_space<hbm>> -> memref<1x10240x80xf32, #tpu.memory_space<hbm>>
    %dma_start3A_25 = tpu.memref_squeeze %dma_start3A_24 : memref<1x10240x80xf32, #tpu.memory_space<hbm>> -> memref<10240x80xf32, #tpu.memory_space<hbm>>
    %dma_start3A_26 = arith.constant 0 : i32
    %dma_start3A_27 = arith.constant 0 : i32
    %dma_start3A_28 = tpu.memref_slice %dma_start3A_25[%dma_start3A_26, %dma_start3A_27] : memref<10240x80xf32, #tpu.memory_space<hbm>> -> memref<10240x80xf32, #tpu.memory_space<hbm>>
    tpu.enqueue_indirect_dma source(%dma_start3A_28 : memref<10240x80xf32, #tpu.memory_space<hbm>>) target(%arg9 : memref<128x80xf32, #tpu.memory_space<vmem>>) offsets(%dma_start3A_21 : memref<128xi32, #tpu.memory_space<vmem>>) semaphore(%arg12 : memref<!tpu.dma_semaphore, #tpu.memory_space<semaphore_mem>>)
    %scan3A = arith.constant 0 : i32
    %scan3A_29 = arith.constant 0 : i32
    %scan3A_30 = arith.constant 52 : i32
    %scan3A_31 = arith.addi %scan3A_29, %scan3A_30 : i32
    %scan3A_32 = arith.constant 1 : i32
    scf.for %scan3A_46 = %scan3A_29 to %scan3A_31 step %scan3A_32  : i32 {
      %mul3A_47 = arith.constant 3 : i32
      %mul3A_48 = arith.muli %mul3A_47, %scan3A_46 : i32
      %add3A = arith.constant 0 : i32
      %add3A_49 = arith.addi %mul3A_48, %add3A : i32
      %dma_wait3A_50 = arith.constant 0 : i32
      %dma_wait3A_51 = tpu.memref_slice %arg6[%add3A_49, %dma_wait3A_50] : memref<157x128xi32, #tpu.memory_space<vmem>> -> memref<1x128xi32, #tpu.memory_space<vmem>>
      %dma_wait3A_52 = tpu.memref_squeeze %dma_wait3A_51 : memref<1x128xi32, #tpu.memory_space<vmem>> -> memref<128xi32, #tpu.memory_space<vmem>>
      %dma_wait3A_53 = arith.constant 0 : i32
      %dma_wait3A_54 = arith.constant 0 : i32
      %dma_wait3A_55 = tpu.memref_slice %arg2[%arg0, %dma_wait3A_53, %dma_wait3A_54] : memref<2x10240x80xf32, #tpu.memory_space<hbm>> -> memref<1x10240x80xf32, #tpu.memory_space<hbm>>
      %dma_wait3A_56 = tpu.memref_squeeze %dma_wait3A_55 : memref<1x10240x80xf32, #tpu.memory_space<hbm>> -> memref<10240x80xf32, #tpu.memory_space<hbm>>
      %dma_wait3A_57 = arith.constant 0 : i32
      %dma_wait3A_58 = arith.constant 0 : i32
      %dma_wait3A_59 = tpu.memref_slice %dma_wait3A_56[%dma_wait3A_57, %dma_wait3A_58] : memref<10240x80xf32, #tpu.memory_space<hbm>> -> memref<10240x80xf32, #tpu.memory_space<hbm>>
      tpu.wait_indirect_dma semaphore(%arg12 : memref<!tpu.dma_semaphore, #tpu.memory_space<semaphore_mem>>) src(%dma_wait3A_59 : memref<10240x80xf32, #tpu.memory_space<hbm>>) dst(%arg8 : memref<128x80xf32, #tpu.memory_space<vmem>>)
      %ge3A = arith.constant 1 : i32
      %ge3A_60 = arith.cmpi sge, %add3A_49, %ge3A : i32
      %convert_element_type3A_61 = arith.extui %ge3A_60 : i1 to i32
      %cond3A_62 = arith.constant 0 : i32
      %cond3A_63 = arith.cmpi ne, %convert_element_type3A_61, %cond3A_62 : i32
      scf.if %cond3A_63 {
        %dma_wait3A_141 = arith.constant 0 : i32
        %dma_wait3A_142 = tpu.memref_slice %arg7[%add3A_49, %dma_wait3A_141] : memref<157x128xi32, #tpu.memory_space<vmem>> -> memref<1x128xi32, #tpu.memory_space<vmem>>
        %dma_wait3A_143 = tpu.memref_squeeze %dma_wait3A_142 : memref<1x128xi32, #tpu.memory_space<vmem>> -> memref<128xi32, #tpu.memory_space<vmem>>
        %dma_wait3A_144 = arith.constant 0 : i32
        %dma_wait3A_145 = arith.constant 0 : i32
        %dma_wait3A_146 = tpu.memref_slice %arg11[%dma_wait3A_144, %dma_wait3A_145] : memref<10240x80xf32, #tpu.memory_space<vmem_shared>> -> memref<10240x80xf32, #tpu.memory_space<vmem_shared>>
        tpu.wait_indirect_dma semaphore(%arg13 : memref<!tpu.dma_semaphore, #tpu.memory_space<semaphore_mem>>) src(%arg8 : memref<128x80xf32, #tpu.memory_space<vmem>>) dst(%dma_wait3A_146 : memref<10240x80xf32, #tpu.memory_space<vmem_shared>>)
      } else {
      }
      %add3A_64 = arith.constant 2 : i32
      %add3A_65 = arith.addi %add3A_49, %add3A_64 : i32
      %lt3A_66 = arith.constant 156 : i32
      %lt3A_67 = arith.cmpi slt, %add3A_65, %lt3A_66 : i32
      %convert_element_type3A_68 = arith.extui %lt3A_67 : i1 to i32
      %cond3A_69 = arith.constant 0 : i32
      %cond3A_70 = arith.cmpi ne, %convert_element_type3A_68, %cond3A_69 : i32
      scf.if %cond3A_70 {
        %add3A_141 = arith.constant 2 : i32
        %add3A_142 = arith.addi %add3A_49, %add3A_141 : i32
        %dma_start3A_143 = arith.constant 0 : i32
        %dma_start3A_144 = tpu.memref_slice %arg6[%add3A_142, %dma_start3A_143] : memref<157x128xi32, #tpu.memory_space<vmem>> -> memref<1x128xi32, #tpu.memory_space<vmem>>
        %dma_start3A_145 = tpu.memref_squeeze %dma_start3A_144 : memref<1x128xi32, #tpu.memory_space<vmem>> -> memref<128xi32, #tpu.memory_space<vmem>>
        %dma_start3A_146 = arith.constant 0 : i32
        %dma_start3A_147 = arith.constant 0 : i32
        %dma_start3A_148 = tpu.memref_slice %arg2[%arg0, %dma_start3A_146, %dma_start3A_147] : memref<2x10240x80xf32, #tpu.memory_space<hbm>> -> memref<1x10240x80xf32, #tpu.memory_space<hbm>>
        %dma_start3A_149 = tpu.memref_squeeze %dma_start3A_148 : memref<1x10240x80xf32, #tpu.memory_space<hbm>> -> memref<10240x80xf32, #tpu.memory_space<hbm>>
        %dma_start3A_150 = arith.constant 0 : i32
        %dma_start3A_151 = arith.constant 0 : i32
        %dma_start3A_152 = tpu.memref_slice %dma_start3A_149[%dma_start3A_150, %dma_start3A_151] : memref<10240x80xf32, #tpu.memory_space<hbm>> -> memref<10240x80xf32, #tpu.memory_space<hbm>>
        tpu.enqueue_indirect_dma source(%dma_start3A_152 : memref<10240x80xf32, #tpu.memory_space<hbm>>) target(%arg10 : memref<128x80xf32, #tpu.memory_space<vmem>>) offsets(%dma_start3A_145 : memref<128xi32, #tpu.memory_space<vmem>>) semaphore(%arg12 : memref<!tpu.dma_semaphore, #tpu.memory_space<semaphore_mem>>)
      } else {
      }
      %dma_start3A_71 = arith.constant 0 : i32
      %dma_start3A_72 = tpu.memref_slice %arg7[%add3A_49, %dma_start3A_71] : memref<157x128xi32, #tpu.memory_space<vmem>> -> memref<1x128xi32, #tpu.memory_space<vmem>>
      %dma_start3A_73 = tpu.memref_squeeze %dma_start3A_72 : memref<1x128xi32, #tpu.memory_space<vmem>> -> memref<128xi32, #tpu.memory_space<vmem>>
      %dma_start3A_74 = arith.constant 0 : i32
      %dma_start3A_75 = arith.constant 0 : i32
      %dma_start3A_76 = tpu.memref_slice %arg11[%dma_start3A_74, %dma_start3A_75] : memref<10240x80xf32, #tpu.memory_space<vmem_shared>> -> memref<10240x80xf32, #tpu.memory_space<vmem_shared>>
      tpu.enqueue_indirect_dma source(%arg8 : memref<128x80xf32, #tpu.memory_space<vmem>>) target(%dma_start3A_76 : memref<10240x80xf32, #tpu.memory_space<vmem_shared>>) offsets(%dma_start3A_73 : memref<128xi32, #tpu.memory_space<vmem>>) semaphore(%arg13 : memref<!tpu.dma_semaphore, #tpu.memory_space<semaphore_mem>>) {add = true}
      %mul3A_77 = arith.constant 3 : i32
      %mul3A_78 = arith.muli %mul3A_77, %scan3A_46 : i32
      %add3A_79 = arith.constant 1 : i32
      %add3A_80 = arith.addi %mul3A_78, %add3A_79 : i32
      %dma_wait3A_81 = arith.constant 0 : i32
      %dma_wait3A_82 = tpu.memref_slice %arg6[%add3A_80, %dma_wait3A_81] : memref<157x128xi32, #tpu.memory_space<vmem>> -> memref<1x128xi32, #tpu.memory_space<vmem>>
      %dma_wait3A_83 = tpu.memref_squeeze %dma_wait3A_82 : memref<1x128xi32, #tpu.memory_space<vmem>> -> memref<128xi32, #tpu.memory_space<vmem>>
      %dma_wait3A_84 = arith.constant 0 : i32
      %dma_wait3A_85 = arith.constant 0 : i32
      %dma_wait3A_86 = tpu.memref_slice %arg2[%arg0, %dma_wait3A_84, %dma_wait3A_85] : memref<2x10240x80xf32, #tpu.memory_space<hbm>> -> memref<1x10240x80xf32, #tpu.memory_space<hbm>>
      %dma_wait3A_87 = tpu.memref_squeeze %dma_wait3A_86 : memref<1x10240x80xf32, #tpu.memory_space<hbm>> -> memref<10240x80xf32, #tpu.memory_space<hbm>>
      %dma_wait3A_88 = arith.constant 0 : i32
      %dma_wait3A_89 = arith.constant 0 : i32
      %dma_wait3A_90 = tpu.memref_slice %dma_wait3A_87[%dma_wait3A_88, %dma_wait3A_89] : memref<10240x80xf32, #tpu.memory_space<hbm>> -> memref<10240x80xf32, #tpu.memory_space<hbm>>
      tpu.wait_indirect_dma semaphore(%arg12 : memref<!tpu.dma_semaphore, #tpu.memory_space<semaphore_mem>>) src(%dma_wait3A_90 : memref<10240x80xf32, #tpu.memory_space<hbm>>) dst(%arg9 : memref<128x80xf32, #tpu.memory_space<vmem>>)
      %ge3A_91 = arith.constant 1 : i32
      %ge3A_92 = arith.cmpi sge, %add3A_80, %ge3A_91 : i32
      %convert_element_type3A_93 = arith.extui %ge3A_92 : i1 to i32
      %cond3A_94 = arith.constant 0 : i32
      %cond3A_95 = arith.cmpi ne, %convert_element_type3A_93, %cond3A_94 : i32
      scf.if %cond3A_95 {
        %dma_wait3A_141 = arith.constant 0 : i32
        %dma_wait3A_142 = tpu.memref_slice %arg7[%add3A_80, %dma_wait3A_141] : memref<157x128xi32, #tpu.memory_space<vmem>> -> memref<1x128xi32, #tpu.memory_space<vmem>>
        %dma_wait3A_143 = tpu.memref_squeeze %dma_wait3A_142 : memref<1x128xi32, #tpu.memory_space<vmem>> -> memref<128xi32, #tpu.memory_space<vmem>>
        %dma_wait3A_144 = arith.constant 0 : i32
        %dma_wait3A_145 = arith.constant 0 : i32
        %dma_wait3A_146 = tpu.memref_slice %arg11[%dma_wait3A_144, %dma_wait3A_145] : memref<10240x80xf32, #tpu.memory_space<vmem_shared>> -> memref<10240x80xf32, #tpu.memory_space<vmem_shared>>
        tpu.wait_indirect_dma semaphore(%arg13 : memref<!tpu.dma_semaphore, #tpu.memory_space<semaphore_mem>>) src(%arg9 : memref<128x80xf32, #tpu.memory_space<vmem>>) dst(%dma_wait3A_146 : memref<10240x80xf32, #tpu.memory_space<vmem_shared>>)
      } else {
      }
      %add3A_96 = arith.constant 2 : i32
      %add3A_97 = arith.addi %add3A_80, %add3A_96 : i32
      %lt3A_98 = arith.constant 156 : i32
      %lt3A_99 = arith.cmpi slt, %add3A_97, %lt3A_98 : i32
      %convert_element_type3A_100 = arith.extui %lt3A_99 : i1 to i32
      %cond3A_101 = arith.constant 0 : i32
      %cond3A_102 = arith.cmpi ne, %convert_element_type3A_100, %cond3A_101 : i32
      scf.if %cond3A_102 {
        %add3A_141 = arith.constant 2 : i32
        %add3A_142 = arith.addi %add3A_80, %add3A_141 : i32
        %dma_start3A_143 = arith.constant 0 : i32
        %dma_start3A_144 = tpu.memref_slice %arg6[%add3A_142, %dma_start3A_143] : memref<157x128xi32, #tpu.memory_space<vmem>> -> memref<1x128xi32, #tpu.memory_space<vmem>>
        %dma_start3A_145 = tpu.memref_squeeze %dma_start3A_144 : memref<1x128xi32, #tpu.memory_space<vmem>> -> memref<128xi32, #tpu.memory_space<vmem>>
        %dma_start3A_146 = arith.constant 0 : i32
        %dma_start3A_147 = arith.constant 0 : i32
        %dma_start3A_148 = tpu.memref_slice %arg2[%arg0, %dma_start3A_146, %dma_start3A_147] : memref<2x10240x80xf32, #tpu.memory_space<hbm>> -> memref<1x10240x80xf32, #tpu.memory_space<hbm>>
        %dma_start3A_149 = tpu.memref_squeeze %dma_start3A_148 : memref<1x10240x80xf32, #tpu.memory_space<hbm>> -> memref<10240x80xf32, #tpu.memory_space<hbm>>
        %dma_start3A_150 = arith.constant 0 : i32
        %dma_start3A_151 = arith.constant 0 : i32
        %dma_start3A_152 = tpu.memref_slice %dma_start3A_149[%dma_start3A_150, %dma_start3A_151] : memref<10240x80xf32, #tpu.memory_space<hbm>> -> memref<10240x80xf32, #tpu.memory_space<hbm>>
        tpu.enqueue_indirect_dma source(%dma_start3A_152 : memref<10240x80xf32, #tpu.memory_space<hbm>>) target(%arg8 : memref<128x80xf32, #tpu.memory_space<vmem>>) offsets(%dma_start3A_145 : memref<128xi32, #tpu.memory_space<vmem>>) semaphore(%arg12 : memref<!tpu.dma_semaphore, #tpu.memory_space<semaphore_mem>>)
      } else {
      }
      %dma_start3A_103 = arith.constant 0 : i32
      %dma_start3A_104 = tpu.memref_slice %arg7[%add3A_80, %dma_start3A_103] : memref<157x128xi32, #tpu.memory_space<vmem>> -> memref<1x128xi32, #tpu.memory_space<vmem>>
      %dma_start3A_105 = tpu.memref_squeeze %dma_start3A_104 : memref<1x128xi32, #tpu.memory_space<vmem>> -> memref<128xi32, #tpu.memory_space<vmem>>
      %dma_start3A_106 = arith.constant 0 : i32
      %dma_start3A_107 = arith.constant 0 : i32
      %dma_start3A_108 = tpu.memref_slice %arg11[%dma_start3A_106, %dma_start3A_107] : memref<10240x80xf32, #tpu.memory_space<vmem_shared>> -> memref<10240x80xf32, #tpu.memory_space<vmem_shared>>
      tpu.enqueue_indirect_dma source(%arg9 : memref<128x80xf32, #tpu.memory_space<vmem>>) target(%dma_start3A_108 : memref<10240x80xf32, #tpu.memory_space<vmem_shared>>) offsets(%dma_start3A_105 : memref<128xi32, #tpu.memory_space<vmem>>) semaphore(%arg13 : memref<!tpu.dma_semaphore, #tpu.memory_space<semaphore_mem>>) {add = true}
      %mul3A_109 = arith.constant 3 : i32
      %mul3A_110 = arith.muli %mul3A_109, %scan3A_46 : i32
      %add3A_111 = arith.constant 2 : i32
      %add3A_112 = arith.addi %mul3A_110, %add3A_111 : i32
      %dma_wait3A_113 = arith.constant 0 : i32
      %dma_wait3A_114 = tpu.memref_slice %arg6[%add3A_112, %dma_wait3A_113] : memref<157x128xi32, #tpu.memory_space<vmem>> -> memref<1x128xi32, #tpu.memory_space<vmem>>
      %dma_wait3A_115 = tpu.memref_squeeze %dma_wait3A_114 : memref<1x128xi32, #tpu.memory_space<vmem>> -> memref<128xi32, #tpu.memory_space<vmem>>
      %dma_wait3A_116 = arith.constant 0 : i32
      %dma_wait3A_117 = arith.constant 0 : i32
      %dma_wait3A_118 = tpu.memref_slice %arg2[%arg0, %dma_wait3A_116, %dma_wait3A_117] : memref<2x10240x80xf32, #tpu.memory_space<hbm>> -> memref<1x10240x80xf32, #tpu.memory_space<hbm>>
      %dma_wait3A_119 = tpu.memref_squeeze %dma_wait3A_118 : memref<1x10240x80xf32, #tpu.memory_space<hbm>> -> memref<10240x80xf32, #tpu.memory_space<hbm>>
      %dma_wait3A_120 = arith.constant 0 : i32
      %dma_wait3A_121 = arith.constant 0 : i32
      %dma_wait3A_122 = tpu.memref_slice %dma_wait3A_119[%dma_wait3A_120, %dma_wait3A_121] : memref<10240x80xf32, #tpu.memory_space<hbm>> -> memref<10240x80xf32, #tpu.memory_space<hbm>>
      tpu.wait_indirect_dma semaphore(%arg12 : memref<!tpu.dma_semaphore, #tpu.memory_space<semaphore_mem>>) src(%dma_wait3A_122 : memref<10240x80xf32, #tpu.memory_space<hbm>>) dst(%arg10 : memref<128x80xf32, #tpu.memory_space<vmem>>)
      %ge3A_123 = arith.constant 1 : i32
      %ge3A_124 = arith.cmpi sge, %add3A_112, %ge3A_123 : i32
      %convert_element_type3A_125 = arith.extui %ge3A_124 : i1 to i32
      %cond3A_126 = arith.constant 0 : i32
      %cond3A_127 = arith.cmpi ne, %convert_element_type3A_125, %cond3A_126 : i32
      scf.if %cond3A_127 {
        %dma_wait3A_141 = arith.constant 0 : i32
        %dma_wait3A_142 = tpu.memref_slice %arg7[%add3A_112, %dma_wait3A_141] : memref<157x128xi32, #tpu.memory_space<vmem>> -> memref<1x128xi32, #tpu.memory_space<vmem>>
        %dma_wait3A_143 = tpu.memref_squeeze %dma_wait3A_142 : memref<1x128xi32, #tpu.memory_space<vmem>> -> memref<128xi32, #tpu.memory_space<vmem>>
        %dma_wait3A_144 = arith.constant 0 : i32
        %dma_wait3A_145 = arith.constant 0 : i32
        %dma_wait3A_146 = tpu.memref_slice %arg11[%dma_wait3A_144, %dma_wait3A_145] : memref<10240x80xf32, #tpu.memory_space<vmem_shared>> -> memref<10240x80xf32, #tpu.memory_space<vmem_shared>>
        tpu.wait_indirect_dma semaphore(%arg13 : memref<!tpu.dma_semaphore, #tpu.memory_space<semaphore_mem>>) src(%arg10 : memref<128x80xf32, #tpu.memory_space<vmem>>) dst(%dma_wait3A_146 : memref<10240x80xf32, #tpu.memory_space<vmem_shared>>)
      } else {
      }
      %add3A_128 = arith.constant 2 : i32
      %add3A_129 = arith.addi %add3A_112, %add3A_128 : i32
      %lt3A_130 = arith.constant 156 : i32
      %lt3A_131 = arith.cmpi slt, %add3A_129, %lt3A_130 : i32
      %convert_element_type3A_132 = arith.extui %lt3A_131 : i1 to i32
      %cond3A_133 = arith.constant 0 : i32
      %cond3A_134 = arith.cmpi ne, %convert_element_type3A_132, %cond3A_133 : i32
      scf.if %cond3A_134 {
        %add3A_141 = arith.constant 2 : i32
        %add3A_142 = arith.addi %add3A_112, %add3A_141 : i32
        %dma_start3A_143 = arith.constant 0 : i32
        %dma_start3A_144 = tpu.memref_slice %arg6[%add3A_142, %dma_start3A_143] : memref<157x128xi32, #tpu.memory_space<vmem>> -> memref<1x128xi32, #tpu.memory_space<vmem>>
        %dma_start3A_145 = tpu.memref_squeeze %dma_start3A_144 : memref<1x128xi32, #tpu.memory_space<vmem>> -> memref<128xi32, #tpu.memory_space<vmem>>
        %dma_start3A_146 = arith.constant 0 : i32
        %dma_start3A_147 = arith.constant 0 : i32
        %dma_start3A_148 = tpu.memref_slice %arg2[%arg0, %dma_start3A_146, %dma_start3A_147] : memref<2x10240x80xf32, #tpu.memory_space<hbm>> -> memref<1x10240x80xf32, #tpu.memory_space<hbm>>
        %dma_start3A_149 = tpu.memref_squeeze %dma_start3A_148 : memref<1x10240x80xf32, #tpu.memory_space<hbm>> -> memref<10240x80xf32, #tpu.memory_space<hbm>>
        %dma_start3A_150 = arith.constant 0 : i32
        %dma_start3A_151 = arith.constant 0 : i32
        %dma_start3A_152 = tpu.memref_slice %dma_start3A_149[%dma_start3A_150, %dma_start3A_151] : memref<10240x80xf32, #tpu.memory_space<hbm>> -> memref<10240x80xf32, #tpu.memory_space<hbm>>
        tpu.enqueue_indirect_dma source(%dma_start3A_152 : memref<10240x80xf32, #tpu.memory_space<hbm>>) target(%arg9 : memref<128x80xf32, #tpu.memory_space<vmem>>) offsets(%dma_start3A_145 : memref<128xi32, #tpu.memory_space<vmem>>) semaphore(%arg12 : memref<!tpu.dma_semaphore, #tpu.memory_space<semaphore_mem>>)
      } else {
      }
      %dma_start3A_135 = arith.constant 0 : i32
      %dma_start3A_136 = tpu.memref_slice %arg7[%add3A_112, %dma_start3A_135] : memref<157x128xi32, #tpu.memory_space<vmem>> -> memref<1x128xi32, #tpu.memory_space<vmem>>
      %dma_start3A_137 = tpu.memref_squeeze %dma_start3A_136 : memref<1x128xi32, #tpu.memory_space<vmem>> -> memref<128xi32, #tpu.memory_space<vmem>>
      %dma_start3A_138 = arith.constant 0 : i32
      %dma_start3A_139 = arith.constant 0 : i32
      %dma_start3A_140 = tpu.memref_slice %arg11[%dma_start3A_138, %dma_start3A_139] : memref<10240x80xf32, #tpu.memory_space<vmem_shared>> -> memref<10240x80xf32, #tpu.memory_space<vmem_shared>>
      tpu.enqueue_indirect_dma source(%arg10 : memref<128x80xf32, #tpu.memory_space<vmem>>) target(%dma_start3A_140 : memref<10240x80xf32, #tpu.memory_space<vmem_shared>>) offsets(%dma_start3A_137 : memref<128xi32, #tpu.memory_space<vmem>>) semaphore(%arg13 : memref<!tpu.dma_semaphore, #tpu.memory_space<semaphore_mem>>) {add = true}
    }
    %scan3A_33 = arith.constant 52 : i32
    %dma_wait3A = arith.constant 0 : i32
    %dma_wait3A_34 = arith.constant 0 : i32
    %dma_wait3A_35 = tpu.memref_slice %arg7[%dma_wait3A, %dma_wait3A_34] : memref<157x128xi32, #tpu.memory_space<vmem>> -> memref<1x128xi32, #tpu.memory_space<vmem>>
    %dma_wait3A_36 = tpu.memref_squeeze %dma_wait3A_35 : memref<1x128xi32, #tpu.memory_space<vmem>> -> memref<128xi32, #tpu.memory_space<vmem>>
    %dma_wait3A_37 = arith.constant 0 : i32
    %dma_wait3A_38 = arith.constant 0 : i32
    %dma_wait3A_39 = tpu.memref_slice %arg11[%dma_wait3A_37, %dma_wait3A_38] : memref<10240x80xf32, #tpu.memory_space<vmem_shared>> -> memref<10240x80xf32, #tpu.memory_space<vmem_shared>>
    tpu.wait_indirect_dma semaphore(%arg13 : memref<!tpu.dma_semaphore, #tpu.memory_space<semaphore_mem>>) src(%arg8 : memref<128x80xf32, #tpu.memory_space<vmem>>) dst(%dma_wait3A_39 : memref<10240x80xf32, #tpu.memory_space<vmem_shared>>)
    %lt3A_40 = arith.constant 4 : i32
    %lt3A_41 = arith.cmpi slt, %arg1, %lt3A_40 : i32
    %convert_element_type3A_42 = arith.extui %lt3A_41 : i1 to i32
    %cond3A_43 = arith.constant 0 : i32
    %cond3A_44 = arith.cmpi ne, %convert_element_type3A_42, %cond3A_43 : i32
    scf.if %cond3A_44 {
      %dma_start3A_46 = arith.constant 156 : i32
      %dma_start3A_47 = arith.constant 0 : i32
      %dma_start3A_48 = tpu.memref_slice %arg6[%dma_start3A_46, %dma_start3A_47] : memref<157x128xi32, #tpu.memory_space<vmem>> -> memref<1x128xi32, #tpu.memory_space<vmem>>
      %dma_start3A_49 = tpu.memref_squeeze %dma_start3A_48 : memref<1x128xi32, #tpu.memory_space<vmem>> -> memref<128xi32, #tpu.memory_space<vmem>>
      %dma_start3A_50 = arith.constant 0 : i32
      %dma_start3A_51 = arith.constant 0 : i32
      %dma_start3A_52 = tpu.memref_slice %arg2[%arg0, %dma_start3A_50, %dma_start3A_51] : memref<2x10240x80xf32, #tpu.memory_space<hbm>> -> memref<1x10240x80xf32, #tpu.memory_space<hbm>>
      %dma_start3A_53 = tpu.memref_squeeze %dma_start3A_52 : memref<1x10240x80xf32, #tpu.memory_space<hbm>> -> memref<10240x80xf32, #tpu.memory_space<hbm>>
      %dma_start3A_54 = arith.constant 0 : i32
      %dma_start3A_55 = arith.constant 0 : i32
      %dma_start3A_56 = tpu.memref_slice %dma_start3A_53[%dma_start3A_54, %dma_start3A_55] : memref<10240x80xf32, #tpu.memory_space<hbm>> -> memref<10240x80xf32, #tpu.memory_space<hbm>>
      tpu.enqueue_indirect_dma source(%dma_start3A_56 : memref<10240x80xf32, #tpu.memory_space<hbm>>) target(%arg8 : memref<128x80xf32, #tpu.memory_space<vmem>>) offsets(%dma_start3A_49 : memref<128xi32, #tpu.memory_space<vmem>>) semaphore(%arg12 : memref<!tpu.dma_semaphore, #tpu.memory_space<semaphore_mem>>)
      %dma_wait3A_57 = arith.constant 156 : i32
      %dma_wait3A_58 = arith.constant 0 : i32
      %dma_wait3A_59 = tpu.memref_slice %arg6[%dma_wait3A_57, %dma_wait3A_58] : memref<157x128xi32, #tpu.memory_space<vmem>> -> memref<1x128xi32, #tpu.memory_space<vmem>>
      %dma_wait3A_60 = tpu.memref_squeeze %dma_wait3A_59 : memref<1x128xi32, #tpu.memory_space<vmem>> -> memref<128xi32, #tpu.memory_space<vmem>>
      %dma_wait3A_61 = arith.constant 0 : i32
      %dma_wait3A_62 = arith.constant 0 : i32
      %dma_wait3A_63 = tpu.memref_slice %arg2[%arg0, %dma_wait3A_61, %dma_wait3A_62] : memref<2x10240x80xf32, #tpu.memory_space<hbm>> -> memref<1x10240x80xf32, #tpu.memory_space<hbm>>
      %dma_wait3A_64 = tpu.memref_squeeze %dma_wait3A_63 : memref<1x10240x80xf32, #tpu.memory_space<hbm>> -> memref<10240x80xf32, #tpu.memory_space<hbm>>
      %dma_wait3A_65 = arith.constant 0 : i32
      %dma_wait3A_66 = arith.constant 0 : i32
      %dma_wait3A_67 = tpu.memref_slice %dma_wait3A_64[%dma_wait3A_65, %dma_wait3A_66] : memref<10240x80xf32, #tpu.memory_space<hbm>> -> memref<10240x80xf32, #tpu.memory_space<hbm>>
      tpu.wait_indirect_dma semaphore(%arg12 : memref<!tpu.dma_semaphore, #tpu.memory_space<semaphore_mem>>) src(%dma_wait3A_67 : memref<10240x80xf32, #tpu.memory_space<hbm>>) dst(%arg8 : memref<128x80xf32, #tpu.memory_space<vmem>>)
      %run_scoped3A_68 = arith.constant 156 : i32
      "tpu.region"() ({
        %run_scoped3A_69 = tpu.sem_alloc : memref<!tpu.dma_semaphore, #tpu.memory_space<semaphore_mem>>
        %dma_start3A_70 = arith.constant 0 : i32
        %dma_start3A_71 = tpu.memref_slice %arg7[%run_scoped3A_68, %dma_start3A_70] : memref<157x128xi32, #tpu.memory_space<vmem>> -> memref<1x128xi32, #tpu.memory_space<vmem>>
        %dma_start3A_72 = tpu.memref_squeeze %dma_start3A_71 : memref<1x128xi32, #tpu.memory_space<vmem>> -> memref<128xi32, #tpu.memory_space<vmem>>
        %dma_start3A_73 = arith.constant 0 : i32
        %dma_start3A_74 = arith.constant 0 : i32
        %dma_start3A_75 = tpu.memref_slice %arg11[%dma_start3A_73, %dma_start3A_74] : memref<10240x80xf32, #tpu.memory_space<vmem_shared>> -> memref<10240x80xf32, #tpu.memory_space<vmem_shared>>
        tpu.enqueue_indirect_dma source(%arg8 : memref<128x80xf32, #tpu.memory_space<vmem>>) target(%dma_start3A_75 : memref<10240x80xf32, #tpu.memory_space<vmem_shared>>) offsets(%dma_start3A_72 : memref<128xi32, #tpu.memory_space<vmem>>) semaphore(%run_scoped3A_69 : memref<!tpu.dma_semaphore, #tpu.memory_space<semaphore_mem>>) {add = true}
        %dma_wait3A_76 = arith.constant 0 : i32
        %dma_wait3A_77 = tpu.memref_slice %arg7[%run_scoped3A_68, %dma_wait3A_76] : memref<157x128xi32, #tpu.memory_space<vmem>> -> memref<1x128xi32, #tpu.memory_space<vmem>>
        %dma_wait3A_78 = tpu.memref_squeeze %dma_wait3A_77 : memref<1x128xi32, #tpu.memory_space<vmem>> -> memref<128xi32, #tpu.memory_space<vmem>>
        %dma_wait3A_79 = arith.constant 0 : i32
        %dma_wait3A_80 = arith.constant 0 : i32
        %dma_wait3A_81 = tpu.memref_slice %arg11[%dma_wait3A_79, %dma_wait3A_80] : memref<10240x80xf32, #tpu.memory_space<vmem_shared>> -> memref<10240x80xf32, #tpu.memory_space<vmem_shared>>
        tpu.wait_indirect_dma semaphore(%run_scoped3A_69 : memref<!tpu.dma_semaphore, #tpu.memory_space<semaphore_mem>>) src(%arg8 : memref<128x80xf32, #tpu.memory_space<vmem>>) dst(%dma_wait3A_81 : memref<10240x80xf32, #tpu.memory_space<vmem_shared>>)
        tpu.yield
      }) : () -> ()
    } else {
    }
    %barrier3A_45 = arith.constant 0 : index
    tpu.barrier barrier_id(%barrier3A_45)
    "tpu.region"() ({
      %run_scoped3A_46 = tpu.sem_alloc : memref<!tpu.dma_semaphore, #tpu.memory_space<semaphore_mem>>
      %dma_start3A_47 = arith.constant 0 : i32
      %dma_start3A_48 = tpu.memref_slice %arg5[%arg0, %mul3A_0, %dma_start3A_47] : memref<2x10240x80xf32, #tpu.memory_space<hbm>> -> memref<1x640x80xf32, #tpu.memory_space<hbm>>
      %dma_start3A_49 = tpu.memref_squeeze %dma_start3A_48 : memref<1x640x80xf32, #tpu.memory_space<hbm>> -> memref<640x80xf32, #tpu.memory_space<hbm>>
      %dma_start3A_50 = arith.constant 0 : i32
      %dma_start3A_51 = tpu.memref_slice %arg11[%mul3A_0, %dma_start3A_50] : memref<10240x80xf32, #tpu.memory_space<vmem_shared>> -> memref<640x80xf32, #tpu.memory_space<vmem_shared>>
      tpu.enqueue_dma source(%dma_start3A_51 : memref<640x80xf32, #tpu.memory_space<vmem_shared>>) target(%dma_start3A_49 : memref<640x80xf32, #tpu.memory_space<hbm>>) target_semaphore(%run_scoped3A_46 : memref<!tpu.dma_semaphore, #tpu.memory_space<semaphore_mem>>)
      %dma_wait3A_52 = arith.constant 0 : i32
      %dma_wait3A_53 = tpu.memref_slice %arg5[%arg0, %mul3A_0, %dma_wait3A_52] : memref<2x10240x80xf32, #tpu.memory_space<hbm>> -> memref<1x640x80xf32, #tpu.memory_space<hbm>>
      %dma_wait3A_54 = tpu.memref_squeeze %dma_wait3A_53 : memref<1x640x80xf32, #tpu.memory_space<hbm>> -> memref<640x80xf32, #tpu.memory_space<hbm>>
      %dma_wait3A_55 = arith.constant 0 : i32
      %dma_wait3A_56 = tpu.memref_slice %arg11[%mul3A_0, %dma_wait3A_55] : memref<10240x80xf32, #tpu.memory_space<vmem_shared>> -> memref<640x80xf32, #tpu.memory_space<vmem_shared>>
      tpu.wait_dma2 semaphore(%run_scoped3A_46 : memref<!tpu.dma_semaphore, #tpu.memory_space<semaphore_mem>>) src(%dma_wait3A_56 : memref<640x80xf32, #tpu.memory_space<vmem_shared>>) dst(%dma_wait3A_54 : memref<640x80xf32, #tpu.memory_space<hbm>>)
      tpu.yield
    }) : () -> ()
    return
  }
}

#map = affine_map<(d0, d1) -> (0, 0, 0)>
#map1 = affine_map<(d0, d1) -> (0, 0)>
module attributes {stable_mosaic.version = 14 : i64} {
  func.func @agg(%arg0: i32, %arg1: i32, %arg2: memref<2x10240x80xf32, #tpu.memory_space<hbm>>, %arg3: memref<2x2500x128xi32, #tpu.memory_space<hbm>>, %arg4: memref<10240x80xf32, #tpu.memory_space<hbm>>, %arg5: memref<2x10240x80xf32, #tpu.memory_space<hbm>>, %arg6: memref<157x128xi32, #tpu.memory_space<vmem>>, %arg7: memref<157x128xi32, #tpu.memory_space<vmem>>, %arg8: memref<128x80xf32, #tpu.memory_space<vmem>>, %arg9: memref<128x80xf32, #tpu.memory_space<vmem>>, %arg10: memref<128x80xf32, #tpu.memory_space<vmem>>, %arg11: memref<10240x80xf32, #tpu.memory_space<vmem_shared>>, %arg12: memref<!tpu.dma_semaphore, #tpu.memory_space<semaphore_mem>>, %arg13: memref<!tpu.dma_semaphore, #tpu.memory_space<semaphore_mem>>) attributes {dimension_semantics = [#tpu.dimension_semantics<core_parallel>, #tpu.dimension_semantics<subcore_parallel>], iteration_bounds = array<i64: 2, 16>, scalar_prefetch = 0 : i64, scratch_operands = 8 : i64, tpu.core_type = #tpu.core_type<sc_vector_subcore>, window_params = [{transform_indices = #map}, {transform_indices = #map}, {transform_indices = #map1}, {transform_indices = #map}]} {
    %mul3A = arith.constant 640 : i32
    %mul3A_0 = arith.muli %arg1, %mul3A : i32
    "tpu.region"() ({
      %run_scoped3A_46 = tpu.sem_alloc : memref<!tpu.dma_semaphore, #tpu.memory_space<semaphore_mem>>
      %dma_start3A_47 = arith.constant 0 : i32
      %dma_start3A_48 = tpu.memref_slice %arg11[%mul3A_0, %dma_start3A_47] : memref<10240x80xf32, #tpu.memory_space<vmem_shared>> -> memref<640x80xf32, #tpu.memory_space<vmem_shared>>
      %dma_start3A_49 = arith.constant 0 : i32
      %dma_start3A_50 = tpu.memref_slice %arg4[%mul3A_0, %dma_start3A_49] : memref<10240x80xf32, #tpu.memory_space<hbm>> -> memref<640x80xf32, #tpu.memory_space<hbm>>
      tpu.enqueue_dma source(%dma_start3A_50 : memref<640x80xf32, #tpu.memory_space<hbm>>) target(%dma_start3A_48 : memref<640x80xf32, #tpu.memory_space<vmem_shared>>) target_semaphore(%run_scoped3A_46 : memref<!tpu.dma_semaphore, #tpu.memory_space<semaphore_mem>>)
      %dma_wait3A_51 = arith.constant 0 : i32
      %dma_wait3A_52 = tpu.memref_slice %arg11[%mul3A_0, %dma_wait3A_51] : memref<10240x80xf32, #tpu.memory_space<vmem_shared>> -> memref<640x80xf32, #tpu.memory_space<vmem_shared>>
      %dma_wait3A_53 = arith.constant 0 : i32
      %dma_wait3A_54 = tpu.memref_slice %arg4[%mul3A_0, %dma_wait3A_53] : memref<10240x80xf32, #tpu.memory_space<hbm>> -> memref<640x80xf32, #tpu.memory_space<hbm>>
      tpu.wait_dma2 semaphore(%run_scoped3A_46 : memref<!tpu.dma_semaphore, #tpu.memory_space<semaphore_mem>>) src(%dma_wait3A_54 : memref<640x80xf32, #tpu.memory_space<hbm>>) dst(%dma_wait3A_52 : memref<640x80xf32, #tpu.memory_space<vmem_shared>>)
      tpu.yield
    }) : () -> ()
    %mul3A_1 = arith.constant 156 : i32
    %mul3A_2 = arith.muli %arg1, %mul3A_1 : i32
    %run_scoped3A = arith.constant 0 : i32
    "tpu.region"() ({
      %run_scoped3A_46 = tpu.sem_alloc : memref<!tpu.dma_semaphore, #tpu.memory_space<semaphore_mem>>
      %dma_start3A_47 = arith.constant 0 : i32
      %dma_start3A_48 = arith.constant 0 : i32
      %dma_start3A_49 = tpu.memref_slice %arg6[%dma_start3A_47, %dma_start3A_48] : memref<157x128xi32, #tpu.memory_space<vmem>> -> memref<156x128xi32, #tpu.memory_space<vmem>>
      %dma_start3A_50 = arith.constant 0 : i32
      %dma_start3A_51 = tpu.memref_slice %arg3[%run_scoped3A, %mul3A_2, %dma_start3A_50] : memref<2x2500x128xi32, #tpu.memory_space<hbm>> -> memref<1x156x128xi32, #tpu.memory_space<hbm>>
      %dma_start3A_52 = tpu.memref_squeeze %dma_start3A_51 : memref<1x156x128xi32, #tpu.memory_space<hbm>> -> memref<156x128xi32, #tpu.memory_space<hbm>>
      %dma_start3A_53 = arith.constant 0 : i32
      %dma_start3A_54 = arith.constant 0 : i32
      %dma_start3A_55 = tpu.memref_slice %arg6[%dma_start3A_53, %dma_start3A_54] : memref<157x128xi32, #tpu.memory_space<vmem>> -> memref<156x128xi32, #tpu.memory_space<vmem>>
      %dma_start3A_56 = arith.constant 0 : i32
      %dma_start3A_57 = tpu.memref_slice %arg3[%run_scoped3A, %mul3A_2, %dma_start3A_56] : memref<2x2500x128xi32, #tpu.memory_space<hbm>> -> memref<1x156x128xi32, #tpu.memory_space<hbm>>
      %dma_start3A_58 = tpu.memref_squeeze %dma_start3A_57 : memref<1x156x128xi32, #tpu.memory_space<hbm>> -> memref<156x128xi32, #tpu.memory_space<hbm>>
      tpu.enqueue_dma source(%dma_start3A_58 : memref<156x128xi32, #tpu.memory_space<hbm>>) target(%dma_start3A_55 : memref<156x128xi32, #tpu.memory_space<vmem>>) target_semaphore(%run_scoped3A_46 : memref<!tpu.dma_semaphore, #tpu.memory_space<semaphore_mem>>)
      %dma_wait3A_59 = arith.constant 0 : i32
      %dma_wait3A_60 = arith.constant 0 : i32
      %dma_wait3A_61 = tpu.memref_slice %arg6[%dma_wait3A_59, %dma_wait3A_60] : memref<157x128xi32, #tpu.memory_space<vmem>> -> memref<156x128xi32, #tpu.memory_space<vmem>>
      %dma_wait3A_62 = arith.constant 0 : i32
      %dma_wait3A_63 = tpu.memref_slice %arg3[%run_scoped3A, %mul3A_2, %dma_wait3A_62] : memref<2x2500x128xi32, #tpu.memory_space<hbm>> -> memref<1x156x128xi32, #tpu.memory_space<hbm>>
      %dma_wait3A_64 = tpu.memref_squeeze %dma_wait3A_63 : memref<1x156x128xi32, #tpu.memory_space<hbm>> -> memref<156x128xi32, #tpu.memory_space<hbm>>
      %dma_wait3A_65 = arith.constant 0 : i32
      %dma_wait3A_66 = arith.constant 0 : i32
      %dma_wait3A_67 = tpu.memref_slice %arg6[%dma_wait3A_65, %dma_wait3A_66] : memref<157x128xi32, #tpu.memory_space<vmem>> -> memref<156x128xi32, #tpu.memory_space<vmem>>
      %dma_wait3A_68 = arith.constant 0 : i32
      %dma_wait3A_69 = tpu.memref_slice %arg3[%run_scoped3A, %mul3A_2, %dma_wait3A_68] : memref<2x2500x128xi32, #tpu.memory_space<hbm>> -> memref<1x156x128xi32, #tpu.memory_space<hbm>>
      %dma_wait3A_70 = tpu.memref_squeeze %dma_wait3A_69 : memref<1x156x128xi32, #tpu.memory_space<hbm>> -> memref<156x128xi32, #tpu.memory_space<hbm>>
      tpu.wait_dma2 semaphore(%run_scoped3A_46 : memref<!tpu.dma_semaphore, #tpu.memory_space<semaphore_mem>>) src(%dma_wait3A_70 : memref<156x128xi32, #tpu.memory_space<hbm>>) dst(%dma_wait3A_67 : memref<156x128xi32, #tpu.memory_space<vmem>>)
      tpu.yield
    }) : () -> ()
    %mul3A_3 = arith.constant 156 : i32
    %mul3A_4 = arith.muli %arg1, %mul3A_3 : i32
    %run_scoped3A_5 = arith.constant 1 : i32
    "tpu.region"() ({
      %run_scoped3A_46 = tpu.sem_alloc : memref<!tpu.dma_semaphore, #tpu.memory_space<semaphore_mem>>
      %dma_start3A_47 = arith.constant 0 : i32
      %dma_start3A_48 = arith.constant 0 : i32
      %dma_start3A_49 = tpu.memref_slice %arg7[%dma_start3A_47, %dma_start3A_48] : memref<157x128xi32, #tpu.memory_space<vmem>> -> memref<156x128xi32, #tpu.memory_space<vmem>>
      %dma_start3A_50 = arith.constant 0 : i32
      %dma_start3A_51 = tpu.memref_slice %arg3[%run_scoped3A_5, %mul3A_4, %dma_start3A_50] : memref<2x2500x128xi32, #tpu.memory_space<hbm>> -> memref<1x156x128xi32, #tpu.memory_space<hbm>>
      %dma_start3A_52 = tpu.memref_squeeze %dma_start3A_51 : memref<1x156x128xi32, #tpu.memory_space<hbm>> -> memref<156x128xi32, #tpu.memory_space<hbm>>
      %dma_start3A_53 = arith.constant 0 : i32
      %dma_start3A_54 = arith.constant 0 : i32
      %dma_start3A_55 = tpu.memref_slice %arg7[%dma_start3A_53, %dma_start3A_54] : memref<157x128xi32, #tpu.memory_space<vmem>> -> memref<156x128xi32, #tpu.memory_space<vmem>>
      %dma_start3A_56 = arith.constant 0 : i32
      %dma_start3A_57 = tpu.memref_slice %arg3[%run_scoped3A_5, %mul3A_4, %dma_start3A_56] : memref<2x2500x128xi32, #tpu.memory_space<hbm>> -> memref<1x156x128xi32, #tpu.memory_space<hbm>>
      %dma_start3A_58 = tpu.memref_squeeze %dma_start3A_57 : memref<1x156x128xi32, #tpu.memory_space<hbm>> -> memref<156x128xi32, #tpu.memory_space<hbm>>
      tpu.enqueue_dma source(%dma_start3A_58 : memref<156x128xi32, #tpu.memory_space<hbm>>) target(%dma_start3A_55 : memref<156x128xi32, #tpu.memory_space<vmem>>) target_semaphore(%run_scoped3A_46 : memref<!tpu.dma_semaphore, #tpu.memory_space<semaphore_mem>>)
      %dma_wait3A_59 = arith.constant 0 : i32
      %dma_wait3A_60 = arith.constant 0 : i32
      %dma_wait3A_61 = tpu.memref_slice %arg7[%dma_wait3A_59, %dma_wait3A_60] : memref<157x128xi32, #tpu.memory_space<vmem>> -> memref<156x128xi32, #tpu.memory_space<vmem>>
      %dma_wait3A_62 = arith.constant 0 : i32
      %dma_wait3A_63 = tpu.memref_slice %arg3[%run_scoped3A_5, %mul3A_4, %dma_wait3A_62] : memref<2x2500x128xi32, #tpu.memory_space<hbm>> -> memref<1x156x128xi32, #tpu.memory_space<hbm>>
      %dma_wait3A_64 = tpu.memref_squeeze %dma_wait3A_63 : memref<1x156x128xi32, #tpu.memory_space<hbm>> -> memref<156x128xi32, #tpu.memory_space<hbm>>
      %dma_wait3A_65 = arith.constant 0 : i32
      %dma_wait3A_66 = arith.constant 0 : i32
      %dma_wait3A_67 = tpu.memref_slice %arg7[%dma_wait3A_65, %dma_wait3A_66] : memref<157x128xi32, #tpu.memory_space<vmem>> -> memref<156x128xi32, #tpu.memory_space<vmem>>
      %dma_wait3A_68 = arith.constant 0 : i32
      %dma_wait3A_69 = tpu.memref_slice %arg3[%run_scoped3A_5, %mul3A_4, %dma_wait3A_68] : memref<2x2500x128xi32, #tpu.memory_space<hbm>> -> memref<1x156x128xi32, #tpu.memory_space<hbm>>
      %dma_wait3A_70 = tpu.memref_squeeze %dma_wait3A_69 : memref<1x156x128xi32, #tpu.memory_space<hbm>> -> memref<156x128xi32, #tpu.memory_space<hbm>>
      tpu.wait_dma2 semaphore(%run_scoped3A_46 : memref<!tpu.dma_semaphore, #tpu.memory_space<semaphore_mem>>) src(%dma_wait3A_70 : memref<156x128xi32, #tpu.memory_space<hbm>>) dst(%dma_wait3A_67 : memref<156x128xi32, #tpu.memory_space<vmem>>)
      tpu.yield
    }) : () -> ()
    %lt3A = arith.constant 4 : i32
    %lt3A_6 = arith.cmpi slt, %arg1, %lt3A : i32
    %convert_element_type3A = arith.extui %lt3A_6 : i1 to i32
    %cond3A = arith.constant 0 : i32
    %cond3A_7 = arith.cmpi ne, %convert_element_type3A, %cond3A : i32
    scf.if %cond3A_7 {
      %add3A = arith.constant 2496 : i32
      %add3A_46 = arith.addi %add3A, %arg1 : i32
      %run_scoped3A_47 = arith.constant 0 : i32
      "tpu.region"() ({
        %run_scoped3A_51 = tpu.sem_alloc : memref<!tpu.dma_semaphore, #tpu.memory_space<semaphore_mem>>
        %dma_start3A_52 = arith.constant 156 : i32
        %dma_start3A_53 = arith.constant 0 : i32
        %dma_start3A_54 = tpu.memref_slice %arg6[%dma_start3A_52, %dma_start3A_53] : memref<157x128xi32, #tpu.memory_space<vmem>> -> memref<1x128xi32, #tpu.memory_space<vmem>>
        %dma_start3A_55 = arith.constant 0 : i32
        %dma_start3A_56 = tpu.memref_slice %arg3[%run_scoped3A_47, %add3A_46, %dma_start3A_55] : memref<2x2500x128xi32, #tpu.memory_space<hbm>> -> memref<1x1x128xi32, #tpu.memory_space<hbm>>
        %dma_start3A_57 = tpu.memref_squeeze %dma_start3A_56 : memref<1x1x128xi32, #tpu.memory_space<hbm>> -> memref<1x128xi32, #tpu.memory_space<hbm>>
        %dma_start3A_58 = arith.constant 156 : i32
        %dma_start3A_59 = arith.constant 0 : i32
        %dma_start3A_60 = tpu.memref_slice %arg6[%dma_start3A_58, %dma_start3A_59] : memref<157x128xi32, #tpu.memory_space<vmem>> -> memref<1x128xi32, #tpu.memory_space<vmem>>
        %dma_start3A_61 = arith.constant 0 : i32
        %dma_start3A_62 = tpu.memref_slice %arg3[%run_scoped3A_47, %add3A_46, %dma_start3A_61] : memref<2x2500x128xi32, #tpu.memory_space<hbm>> -> memref<1x1x128xi32, #tpu.memory_space<hbm>>
        %dma_start3A_63 = tpu.memref_squeeze %dma_start3A_62 : memref<1x1x128xi32, #tpu.memory_space<hbm>> -> memref<1x128xi32, #tpu.memory_space<hbm>>
        tpu.enqueue_dma source(%dma_start3A_63 : memref<1x128xi32, #tpu.memory_space<hbm>>) target(%dma_start3A_60 : memref<1x128xi32, #tpu.memory_space<vmem>>) target_semaphore(%run_scoped3A_51 : memref<!tpu.dma_semaphore, #tpu.memory_space<semaphore_mem>>)
        %dma_wait3A_64 = arith.constant 156 : i32
        %dma_wait3A_65 = arith.constant 0 : i32
        %dma_wait3A_66 = tpu.memref_slice %arg6[%dma_wait3A_64, %dma_wait3A_65] : memref<157x128xi32, #tpu.memory_space<vmem>> -> memref<1x128xi32, #tpu.memory_space<vmem>>
        %dma_wait3A_67 = arith.constant 0 : i32
        %dma_wait3A_68 = tpu.memref_slice %arg3[%run_scoped3A_47, %add3A_46, %dma_wait3A_67] : memref<2x2500x128xi32, #tpu.memory_space<hbm>> -> memref<1x1x128xi32, #tpu.memory_space<hbm>>
        %dma_wait3A_69 = tpu.memref_squeeze %dma_wait3A_68 : memref<1x1x128xi32, #tpu.memory_space<hbm>> -> memref<1x128xi32, #tpu.memory_space<hbm>>
        %dma_wait3A_70 = arith.constant 156 : i32
        %dma_wait3A_71 = arith.constant 0 : i32
        %dma_wait3A_72 = tpu.memref_slice %arg6[%dma_wait3A_70, %dma_wait3A_71] : memref<157x128xi32, #tpu.memory_space<vmem>> -> memref<1x128xi32, #tpu.memory_space<vmem>>
        %dma_wait3A_73 = arith.constant 0 : i32
        %dma_wait3A_74 = tpu.memref_slice %arg3[%run_scoped3A_47, %add3A_46, %dma_wait3A_73] : memref<2x2500x128xi32, #tpu.memory_space<hbm>> -> memref<1x1x128xi32, #tpu.memory_space<hbm>>
        %dma_wait3A_75 = tpu.memref_squeeze %dma_wait3A_74 : memref<1x1x128xi32, #tpu.memory_space<hbm>> -> memref<1x128xi32, #tpu.memory_space<hbm>>
        tpu.wait_dma2 semaphore(%run_scoped3A_51 : memref<!tpu.dma_semaphore, #tpu.memory_space<semaphore_mem>>) src(%dma_wait3A_75 : memref<1x128xi32, #tpu.memory_space<hbm>>) dst(%dma_wait3A_72 : memref<1x128xi32, #tpu.memory_space<vmem>>)
        tpu.yield
      }) : () -> ()
      %add3A_48 = arith.constant 2496 : i32
      %add3A_49 = arith.addi %add3A_48, %arg1 : i32
      %run_scoped3A_50 = arith.constant 1 : i32
      "tpu.region"() ({
        %run_scoped3A_51 = tpu.sem_alloc : memref<!tpu.dma_semaphore, #tpu.memory_space<semaphore_mem>>
        %dma_start3A_52 = arith.constant 156 : i32
        %dma_start3A_53 = arith.constant 0 : i32
        %dma_start3A_54 = tpu.memref_slice %arg7[%dma_start3A_52, %dma_start3A_53] : memref<157x128xi32, #tpu.memory_space<vmem>> -> memref<1x128xi32, #tpu.memory_space<vmem>>
        %dma_start3A_55 = arith.constant 0 : i32
        %dma_start3A_56 = tpu.memref_slice %arg3[%run_scoped3A_50, %add3A_49, %dma_start3A_55] : memref<2x2500x128xi32, #tpu.memory_space<hbm>> -> memref<1x1x128xi32, #tpu.memory_space<hbm>>
        %dma_start3A_57 = tpu.memref_squeeze %dma_start3A_56 : memref<1x1x128xi32, #tpu.memory_space<hbm>> -> memref<1x128xi32, #tpu.memory_space<hbm>>
        %dma_start3A_58 = arith.constant 156 : i32
        %dma_start3A_59 = arith.constant 0 : i32
        %dma_start3A_60 = tpu.memref_slice %arg7[%dma_start3A_58, %dma_start3A_59] : memref<157x128xi32, #tpu.memory_space<vmem>> -> memref<1x128xi32, #tpu.memory_space<vmem>>
        %dma_start3A_61 = arith.constant 0 : i32
        %dma_start3A_62 = tpu.memref_slice %arg3[%run_scoped3A_50, %add3A_49, %dma_start3A_61] : memref<2x2500x128xi32, #tpu.memory_space<hbm>> -> memref<1x1x128xi32, #tpu.memory_space<hbm>>
        %dma_start3A_63 = tpu.memref_squeeze %dma_start3A_62 : memref<1x1x128xi32, #tpu.memory_space<hbm>> -> memref<1x128xi32, #tpu.memory_space<hbm>>
        tpu.enqueue_dma source(%dma_start3A_63 : memref<1x128xi32, #tpu.memory_space<hbm>>) target(%dma_start3A_60 : memref<1x128xi32, #tpu.memory_space<vmem>>) target_semaphore(%run_scoped3A_51 : memref<!tpu.dma_semaphore, #tpu.memory_space<semaphore_mem>>)
        %dma_wait3A_64 = arith.constant 156 : i32
        %dma_wait3A_65 = arith.constant 0 : i32
        %dma_wait3A_66 = tpu.memref_slice %arg7[%dma_wait3A_64, %dma_wait3A_65] : memref<157x128xi32, #tpu.memory_space<vmem>> -> memref<1x128xi32, #tpu.memory_space<vmem>>
        %dma_wait3A_67 = arith.constant 0 : i32
        %dma_wait3A_68 = tpu.memref_slice %arg3[%run_scoped3A_50, %add3A_49, %dma_wait3A_67] : memref<2x2500x128xi32, #tpu.memory_space<hbm>> -> memref<1x1x128xi32, #tpu.memory_space<hbm>>
        %dma_wait3A_69 = tpu.memref_squeeze %dma_wait3A_68 : memref<1x1x128xi32, #tpu.memory_space<hbm>> -> memref<1x128xi32, #tpu.memory_space<hbm>>
        %dma_wait3A_70 = arith.constant 156 : i32
        %dma_wait3A_71 = arith.constant 0 : i32
        %dma_wait3A_72 = tpu.memref_slice %arg7[%dma_wait3A_70, %dma_wait3A_71] : memref<157x128xi32, #tpu.memory_space<vmem>> -> memref<1x128xi32, #tpu.memory_space<vmem>>
        %dma_wait3A_73 = arith.constant 0 : i32
        %dma_wait3A_74 = tpu.memref_slice %arg3[%run_scoped3A_50, %add3A_49, %dma_wait3A_73] : memref<2x2500x128xi32, #tpu.memory_space<hbm>> -> memref<1x1x128xi32, #tpu.memory_space<hbm>>
        %dma_wait3A_75 = tpu.memref_squeeze %dma_wait3A_74 : memref<1x1x128xi32, #tpu.memory_space<hbm>> -> memref<1x128xi32, #tpu.memory_space<hbm>>
        tpu.wait_dma2 semaphore(%run_scoped3A_51 : memref<!tpu.dma_semaphore, #tpu.memory_space<semaphore_mem>>) src(%dma_wait3A_75 : memref<1x128xi32, #tpu.memory_space<hbm>>) dst(%dma_wait3A_72 : memref<1x128xi32, #tpu.memory_space<vmem>>)
        tpu.yield
      }) : () -> ()
    } else {
    }
    %barrier3A = arith.constant 0 : index
    tpu.barrier barrier_id(%barrier3A)
    %dma_start3A = arith.constant 0 : i32
    %dma_start3A_8 = arith.constant 0 : i32
    %dma_start3A_9 = tpu.memref_slice %arg6[%dma_start3A, %dma_start3A_8] : memref<157x128xi32, #tpu.memory_space<vmem>> -> memref<1x128xi32, #tpu.memory_space<vmem>>
    %dma_start3A_10 = tpu.memref_squeeze %dma_start3A_9 : memref<1x128xi32, #tpu.memory_space<vmem>> -> memref<128xi32, #tpu.memory_space<vmem>>
    %dma_start3A_11 = arith.constant 0 : i32
    %dma_start3A_12 = arith.constant 0 : i32
    %dma_start3A_13 = tpu.memref_slice %arg2[%arg0, %dma_start3A_11, %dma_start3A_12] : memref<2x10240x80xf32, #tpu.memory_space<hbm>> -> memref<1x10240x80xf32, #tpu.memory_space<hbm>>
    %dma_start3A_14 = tpu.memref_squeeze %dma_start3A_13 : memref<1x10240x80xf32, #tpu.memory_space<hbm>> -> memref<10240x80xf32, #tpu.memory_space<hbm>>
    %dma_start3A_15 = arith.constant 0 : i32
    %dma_start3A_16 = arith.constant 0 : i32
    %dma_start3A_17 = tpu.memref_slice %dma_start3A_14[%dma_start3A_15, %dma_start3A_16] : memref<10240x80xf32, #tpu.memory_space<hbm>> -> memref<10240x80xf32, #tpu.memory_space<hbm>>
    tpu.enqueue_indirect_dma source(%dma_start3A_17 : memref<10240x80xf32, #tpu.memory_space<hbm>>) target(%arg8 : memref<128x80xf32, #tpu.memory_space<vmem>>) offsets(%dma_start3A_10 : memref<128xi32, #tpu.memory_space<vmem>>) semaphore(%arg12 : memref<!tpu.dma_semaphore, #tpu.memory_space<semaphore_mem>>)
    %dma_start3A_18 = arith.constant 1 : i32
    %dma_start3A_19 = arith.constant 0 : i32
    %dma_start3A_20 = tpu.memref_slice %arg6[%dma_start3A_18, %dma_start3A_19] : memref<157x128xi32, #tpu.memory_space<vmem>> -> memref<1x128xi32, #tpu.memory_space<vmem>>
    %dma_start3A_21 = tpu.memref_squeeze %dma_start3A_20 : memref<1x128xi32, #tpu.memory_space<vmem>> -> memref<128xi32, #tpu.memory_space<vmem>>
    %dma_start3A_22 = arith.constant 0 : i32
    %dma_start3A_23 = arith.constant 0 : i32
    %dma_start3A_24 = tpu.memref_slice %arg2[%arg0, %dma_start3A_22, %dma_start3A_23] : memref<2x10240x80xf32, #tpu.memory_space<hbm>> -> memref<1x10240x80xf32, #tpu.memory_space<hbm>>
    %dma_start3A_25 = tpu.memref_squeeze %dma_start3A_24 : memref<1x10240x80xf32, #tpu.memory_space<hbm>> -> memref<10240x80xf32, #tpu.memory_space<hbm>>
    %dma_start3A_26 = arith.constant 0 : i32
    %dma_start3A_27 = arith.constant 0 : i32
    %dma_start3A_28 = tpu.memref_slice %dma_start3A_25[%dma_start3A_26, %dma_start3A_27] : memref<10240x80xf32, #tpu.memory_space<hbm>> -> memref<10240x80xf32, #tpu.memory_space<hbm>>
    tpu.enqueue_indirect_dma source(%dma_start3A_28 : memref<10240x80xf32, #tpu.memory_space<hbm>>) target(%arg9 : memref<128x80xf32, #tpu.memory_space<vmem>>) offsets(%dma_start3A_21 : memref<128xi32, #tpu.memory_space<vmem>>) semaphore(%arg12 : memref<!tpu.dma_semaphore, #tpu.memory_space<semaphore_mem>>)
    %scan3A = arith.constant 0 : i32
    %scan3A_29 = arith.constant 0 : i32
    %scan3A_30 = arith.constant 52 : i32
    %scan3A_31 = arith.addi %scan3A_29, %scan3A_30 : i32
    %scan3A_32 = arith.constant 1 : i32
    scf.for %scan3A_46 = %scan3A_29 to %scan3A_31 step %scan3A_32  : i32 {
      %mul3A_47 = arith.constant 3 : i32
      %mul3A_48 = arith.muli %mul3A_47, %scan3A_46 : i32
      %add3A = arith.constant 0 : i32
      %add3A_49 = arith.addi %mul3A_48, %add3A : i32
      %dma_wait3A_50 = arith.constant 0 : i32
      %dma_wait3A_51 = tpu.memref_slice %arg6[%add3A_49, %dma_wait3A_50] : memref<157x128xi32, #tpu.memory_space<vmem>> -> memref<1x128xi32, #tpu.memory_space<vmem>>
      %dma_wait3A_52 = tpu.memref_squeeze %dma_wait3A_51 : memref<1x128xi32, #tpu.memory_space<vmem>> -> memref<128xi32, #tpu.memory_space<vmem>>
      %dma_wait3A_53 = arith.constant 0 : i32
      %dma_wait3A_54 = arith.constant 0 : i32
      %dma_wait3A_55 = tpu.memref_slice %arg2[%arg0, %dma_wait3A_53, %dma_wait3A_54] : memref<2x10240x80xf32, #tpu.memory_space<hbm>> -> memref<1x10240x80xf32, #tpu.memory_space<hbm>>
      %dma_wait3A_56 = tpu.memref_squeeze %dma_wait3A_55 : memref<1x10240x80xf32, #tpu.memory_space<hbm>> -> memref<10240x80xf32, #tpu.memory_space<hbm>>
      %dma_wait3A_57 = arith.constant 0 : i32
      %dma_wait3A_58 = arith.constant 0 : i32
      %dma_wait3A_59 = tpu.memref_slice %dma_wait3A_56[%dma_wait3A_57, %dma_wait3A_58] : memref<10240x80xf32, #tpu.memory_space<hbm>> -> memref<10240x80xf32, #tpu.memory_space<hbm>>
      tpu.wait_indirect_dma semaphore(%arg12 : memref<!tpu.dma_semaphore, #tpu.memory_space<semaphore_mem>>) src(%dma_wait3A_59 : memref<10240x80xf32, #tpu.memory_space<hbm>>) dst(%arg8 : memref<128x80xf32, #tpu.memory_space<vmem>>)
      %ge3A = arith.constant 1 : i32
      %ge3A_60 = arith.cmpi sge, %add3A_49, %ge3A : i32
      %convert_element_type3A_61 = arith.extui %ge3A_60 : i1 to i32
      %cond3A_62 = arith.constant 0 : i32
      %cond3A_63 = arith.cmpi ne, %convert_element_type3A_61, %cond3A_62 : i32
      scf.if %cond3A_63 {
        %dma_wait3A_141 = arith.constant 0 : i32
        %dma_wait3A_142 = tpu.memref_slice %arg7[%add3A_49, %dma_wait3A_141] : memref<157x128xi32, #tpu.memory_space<vmem>> -> memref<1x128xi32, #tpu.memory_space<vmem>>
        %dma_wait3A_143 = tpu.memref_squeeze %dma_wait3A_142 : memref<1x128xi32, #tpu.memory_space<vmem>> -> memref<128xi32, #tpu.memory_space<vmem>>
        %dma_wait3A_144 = arith.constant 0 : i32
        %dma_wait3A_145 = arith.constant 0 : i32
        %dma_wait3A_146 = tpu.memref_slice %arg11[%dma_wait3A_144, %dma_wait3A_145] : memref<10240x80xf32, #tpu.memory_space<vmem_shared>> -> memref<10240x80xf32, #tpu.memory_space<vmem_shared>>
        tpu.wait_indirect_dma semaphore(%arg13 : memref<!tpu.dma_semaphore, #tpu.memory_space<semaphore_mem>>) src(%arg8 : memref<128x80xf32, #tpu.memory_space<vmem>>) dst(%dma_wait3A_146 : memref<10240x80xf32, #tpu.memory_space<vmem_shared>>)
      } else {
      }
      %add3A_64 = arith.constant 2 : i32
      %add3A_65 = arith.addi %add3A_49, %add3A_64 : i32
      %lt3A_66 = arith.constant 156 : i32
      %lt3A_67 = arith.cmpi slt, %add3A_65, %lt3A_66 : i32
      %convert_element_type3A_68 = arith.extui %lt3A_67 : i1 to i32
      %cond3A_69 = arith.constant 0 : i32
      %cond3A_70 = arith.cmpi ne, %convert_element_type3A_68, %cond3A_69 : i32
      scf.if %cond3A_70 {
        %add3A_141 = arith.constant 2 : i32
        %add3A_142 = arith.addi %add3A_49, %add3A_141 : i32
        %dma_start3A_143 = arith.constant 0 : i32
        %dma_start3A_144 = tpu.memref_slice %arg6[%add3A_142, %dma_start3A_143] : memref<157x128xi32, #tpu.memory_space<vmem>> -> memref<1x128xi32, #tpu.memory_space<vmem>>
        %dma_start3A_145 = tpu.memref_squeeze %dma_start3A_144 : memref<1x128xi32, #tpu.memory_space<vmem>> -> memref<128xi32, #tpu.memory_space<vmem>>
        %dma_start3A_146 = arith.constant 0 : i32
        %dma_start3A_147 = arith.constant 0 : i32
        %dma_start3A_148 = tpu.memref_slice %arg2[%arg0, %dma_start3A_146, %dma_start3A_147] : memref<2x10240x80xf32, #tpu.memory_space<hbm>> -> memref<1x10240x80xf32, #tpu.memory_space<hbm>>
        %dma_start3A_149 = tpu.memref_squeeze %dma_start3A_148 : memref<1x10240x80xf32, #tpu.memory_space<hbm>> -> memref<10240x80xf32, #tpu.memory_space<hbm>>
        %dma_start3A_150 = arith.constant 0 : i32
        %dma_start3A_151 = arith.constant 0 : i32
        %dma_start3A_152 = tpu.memref_slice %dma_start3A_149[%dma_start3A_150, %dma_start3A_151] : memref<10240x80xf32, #tpu.memory_space<hbm>> -> memref<10240x80xf32, #tpu.memory_space<hbm>>
        tpu.enqueue_indirect_dma source(%dma_start3A_152 : memref<10240x80xf32, #tpu.memory_space<hbm>>) target(%arg10 : memref<128x80xf32, #tpu.memory_space<vmem>>) offsets(%dma_start3A_145 : memref<128xi32, #tpu.memory_space<vmem>>) semaphore(%arg12 : memref<!tpu.dma_semaphore, #tpu.memory_space<semaphore_mem>>)
      } else {
      }
      %dma_start3A_71 = arith.constant 0 : i32
      %dma_start3A_72 = tpu.memref_slice %arg7[%add3A_49, %dma_start3A_71] : memref<157x128xi32, #tpu.memory_space<vmem>> -> memref<1x128xi32, #tpu.memory_space<vmem>>
      %dma_start3A_73 = tpu.memref_squeeze %dma_start3A_72 : memref<1x128xi32, #tpu.memory_space<vmem>> -> memref<128xi32, #tpu.memory_space<vmem>>
      %dma_start3A_74 = arith.constant 0 : i32
      %dma_start3A_75 = arith.constant 0 : i32
      %dma_start3A_76 = tpu.memref_slice %arg11[%dma_start3A_74, %dma_start3A_75] : memref<10240x80xf32, #tpu.memory_space<vmem_shared>> -> memref<10240x80xf32, #tpu.memory_space<vmem_shared>>
      tpu.enqueue_indirect_dma source(%arg8 : memref<128x80xf32, #tpu.memory_space<vmem>>) target(%dma_start3A_76 : memref<10240x80xf32, #tpu.memory_space<vmem_shared>>) offsets(%dma_start3A_73 : memref<128xi32, #tpu.memory_space<vmem>>) semaphore(%arg13 : memref<!tpu.dma_semaphore, #tpu.memory_space<semaphore_mem>>) {add = true}
      %mul3A_77 = arith.constant 3 : i32
      %mul3A_78 = arith.muli %mul3A_77, %scan3A_46 : i32
      %add3A_79 = arith.constant 1 : i32
      %add3A_80 = arith.addi %mul3A_78, %add3A_79 : i32
      %dma_wait3A_81 = arith.constant 0 : i32
      %dma_wait3A_82 = tpu.memref_slice %arg6[%add3A_80, %dma_wait3A_81] : memref<157x128xi32, #tpu.memory_space<vmem>> -> memref<1x128xi32, #tpu.memory_space<vmem>>
      %dma_wait3A_83 = tpu.memref_squeeze %dma_wait3A_82 : memref<1x128xi32, #tpu.memory_space<vmem>> -> memref<128xi32, #tpu.memory_space<vmem>>
      %dma_wait3A_84 = arith.constant 0 : i32
      %dma_wait3A_85 = arith.constant 0 : i32
      %dma_wait3A_86 = tpu.memref_slice %arg2[%arg0, %dma_wait3A_84, %dma_wait3A_85] : memref<2x10240x80xf32, #tpu.memory_space<hbm>> -> memref<1x10240x80xf32, #tpu.memory_space<hbm>>
      %dma_wait3A_87 = tpu.memref_squeeze %dma_wait3A_86 : memref<1x10240x80xf32, #tpu.memory_space<hbm>> -> memref<10240x80xf32, #tpu.memory_space<hbm>>
      %dma_wait3A_88 = arith.constant 0 : i32
      %dma_wait3A_89 = arith.constant 0 : i32
      %dma_wait3A_90 = tpu.memref_slice %dma_wait3A_87[%dma_wait3A_88, %dma_wait3A_89] : memref<10240x80xf32, #tpu.memory_space<hbm>> -> memref<10240x80xf32, #tpu.memory_space<hbm>>
      tpu.wait_indirect_dma semaphore(%arg12 : memref<!tpu.dma_semaphore, #tpu.memory_space<semaphore_mem>>) src(%dma_wait3A_90 : memref<10240x80xf32, #tpu.memory_space<hbm>>) dst(%arg9 : memref<128x80xf32, #tpu.memory_space<vmem>>)
      %ge3A_91 = arith.constant 1 : i32
      %ge3A_92 = arith.cmpi sge, %add3A_80, %ge3A_91 : i32
      %convert_element_type3A_93 = arith.extui %ge3A_92 : i1 to i32
      %cond3A_94 = arith.constant 0 : i32
      %cond3A_95 = arith.cmpi ne, %convert_element_type3A_93, %cond3A_94 : i32
      scf.if %cond3A_95 {
        %dma_wait3A_141 = arith.constant 0 : i32
        %dma_wait3A_142 = tpu.memref_slice %arg7[%add3A_80, %dma_wait3A_141] : memref<157x128xi32, #tpu.memory_space<vmem>> -> memref<1x128xi32, #tpu.memory_space<vmem>>
        %dma_wait3A_143 = tpu.memref_squeeze %dma_wait3A_142 : memref<1x128xi32, #tpu.memory_space<vmem>> -> memref<128xi32, #tpu.memory_space<vmem>>
        %dma_wait3A_144 = arith.constant 0 : i32
        %dma_wait3A_145 = arith.constant 0 : i32
        %dma_wait3A_146 = tpu.memref_slice %arg11[%dma_wait3A_144, %dma_wait3A_145] : memref<10240x80xf32, #tpu.memory_space<vmem_shared>> -> memref<10240x80xf32, #tpu.memory_space<vmem_shared>>
        tpu.wait_indirect_dma semaphore(%arg13 : memref<!tpu.dma_semaphore, #tpu.memory_space<semaphore_mem>>) src(%arg9 : memref<128x80xf32, #tpu.memory_space<vmem>>) dst(%dma_wait3A_146 : memref<10240x80xf32, #tpu.memory_space<vmem_shared>>)
      } else {
      }
      %add3A_96 = arith.constant 2 : i32
      %add3A_97 = arith.addi %add3A_80, %add3A_96 : i32
      %lt3A_98 = arith.constant 156 : i32
      %lt3A_99 = arith.cmpi slt, %add3A_97, %lt3A_98 : i32
      %convert_element_type3A_100 = arith.extui %lt3A_99 : i1 to i32
      %cond3A_101 = arith.constant 0 : i32
      %cond3A_102 = arith.cmpi ne, %convert_element_type3A_100, %cond3A_101 : i32
      scf.if %cond3A_102 {
        %add3A_141 = arith.constant 2 : i32
        %add3A_142 = arith.addi %add3A_80, %add3A_141 : i32
        %dma_start3A_143 = arith.constant 0 : i32
        %dma_start3A_144 = tpu.memref_slice %arg6[%add3A_142, %dma_start3A_143] : memref<157x128xi32, #tpu.memory_space<vmem>> -> memref<1x128xi32, #tpu.memory_space<vmem>>
        %dma_start3A_145 = tpu.memref_squeeze %dma_start3A_144 : memref<1x128xi32, #tpu.memory_space<vmem>> -> memref<128xi32, #tpu.memory_space<vmem>>
        %dma_start3A_146 = arith.constant 0 : i32
        %dma_start3A_147 = arith.constant 0 : i32
        %dma_start3A_148 = tpu.memref_slice %arg2[%arg0, %dma_start3A_146, %dma_start3A_147] : memref<2x10240x80xf32, #tpu.memory_space<hbm>> -> memref<1x10240x80xf32, #tpu.memory_space<hbm>>
        %dma_start3A_149 = tpu.memref_squeeze %dma_start3A_148 : memref<1x10240x80xf32, #tpu.memory_space<hbm>> -> memref<10240x80xf32, #tpu.memory_space<hbm>>
        %dma_start3A_150 = arith.constant 0 : i32
        %dma_start3A_151 = arith.constant 0 : i32
        %dma_start3A_152 = tpu.memref_slice %dma_start3A_149[%dma_start3A_150, %dma_start3A_151] : memref<10240x80xf32, #tpu.memory_space<hbm>> -> memref<10240x80xf32, #tpu.memory_space<hbm>>
        tpu.enqueue_indirect_dma source(%dma_start3A_152 : memref<10240x80xf32, #tpu.memory_space<hbm>>) target(%arg8 : memref<128x80xf32, #tpu.memory_space<vmem>>) offsets(%dma_start3A_145 : memref<128xi32, #tpu.memory_space<vmem>>) semaphore(%arg12 : memref<!tpu.dma_semaphore, #tpu.memory_space<semaphore_mem>>)
      } else {
      }
      %dma_start3A_103 = arith.constant 0 : i32
      %dma_start3A_104 = tpu.memref_slice %arg7[%add3A_80, %dma_start3A_103] : memref<157x128xi32, #tpu.memory_space<vmem>> -> memref<1x128xi32, #tpu.memory_space<vmem>>
      %dma_start3A_105 = tpu.memref_squeeze %dma_start3A_104 : memref<1x128xi32, #tpu.memory_space<vmem>> -> memref<128xi32, #tpu.memory_space<vmem>>
      %dma_start3A_106 = arith.constant 0 : i32
      %dma_start3A_107 = arith.constant 0 : i32
      %dma_start3A_108 = tpu.memref_slice %arg11[%dma_start3A_106, %dma_start3A_107] : memref<10240x80xf32, #tpu.memory_space<vmem_shared>> -> memref<10240x80xf32, #tpu.memory_space<vmem_shared>>
      tpu.enqueue_indirect_dma source(%arg9 : memref<128x80xf32, #tpu.memory_space<vmem>>) target(%dma_start3A_108 : memref<10240x80xf32, #tpu.memory_space<vmem_shared>>) offsets(%dma_start3A_105 : memref<128xi32, #tpu.memory_space<vmem>>) semaphore(%arg13 : memref<!tpu.dma_semaphore, #tpu.memory_space<semaphore_mem>>) {add = true}
      %mul3A_109 = arith.constant 3 : i32
      %mul3A_110 = arith.muli %mul3A_109, %scan3A_46 : i32
      %add3A_111 = arith.constant 2 : i32
      %add3A_112 = arith.addi %mul3A_110, %add3A_111 : i32
      %dma_wait3A_113 = arith.constant 0 : i32
      %dma_wait3A_114 = tpu.memref_slice %arg6[%add3A_112, %dma_wait3A_113] : memref<157x128xi32, #tpu.memory_space<vmem>> -> memref<1x128xi32, #tpu.memory_space<vmem>>
      %dma_wait3A_115 = tpu.memref_squeeze %dma_wait3A_114 : memref<1x128xi32, #tpu.memory_space<vmem>> -> memref<128xi32, #tpu.memory_space<vmem>>
      %dma_wait3A_116 = arith.constant 0 : i32
      %dma_wait3A_117 = arith.constant 0 : i32
      %dma_wait3A_118 = tpu.memref_slice %arg2[%arg0, %dma_wait3A_116, %dma_wait3A_117] : memref<2x10240x80xf32, #tpu.memory_space<hbm>> -> memref<1x10240x80xf32, #tpu.memory_space<hbm>>
      %dma_wait3A_119 = tpu.memref_squeeze %dma_wait3A_118 : memref<1x10240x80xf32, #tpu.memory_space<hbm>> -> memref<10240x80xf32, #tpu.memory_space<hbm>>
      %dma_wait3A_120 = arith.constant 0 : i32
      %dma_wait3A_121 = arith.constant 0 : i32
      %dma_wait3A_122 = tpu.memref_slice %dma_wait3A_119[%dma_wait3A_120, %dma_wait3A_121] : memref<10240x80xf32, #tpu.memory_space<hbm>> -> memref<10240x80xf32, #tpu.memory_space<hbm>>
      tpu.wait_indirect_dma semaphore(%arg12 : memref<!tpu.dma_semaphore, #tpu.memory_space<semaphore_mem>>) src(%dma_wait3A_122 : memref<10240x80xf32, #tpu.memory_space<hbm>>) dst(%arg10 : memref<128x80xf32, #tpu.memory_space<vmem>>)
      %ge3A_123 = arith.constant 1 : i32
      %ge3A_124 = arith.cmpi sge, %add3A_112, %ge3A_123 : i32
      %convert_element_type3A_125 = arith.extui %ge3A_124 : i1 to i32
      %cond3A_126 = arith.constant 0 : i32
      %cond3A_127 = arith.cmpi ne, %convert_element_type3A_125, %cond3A_126 : i32
      scf.if %cond3A_127 {
        %dma_wait3A_141 = arith.constant 0 : i32
        %dma_wait3A_142 = tpu.memref_slice %arg7[%add3A_112, %dma_wait3A_141] : memref<157x128xi32, #tpu.memory_space<vmem>> -> memref<1x128xi32, #tpu.memory_space<vmem>>
        %dma_wait3A_143 = tpu.memref_squeeze %dma_wait3A_142 : memref<1x128xi32, #tpu.memory_space<vmem>> -> memref<128xi32, #tpu.memory_space<vmem>>
        %dma_wait3A_144 = arith.constant 0 : i32
        %dma_wait3A_145 = arith.constant 0 : i32
        %dma_wait3A_146 = tpu.memref_slice %arg11[%dma_wait3A_144, %dma_wait3A_145] : memref<10240x80xf32, #tpu.memory_space<vmem_shared>> -> memref<10240x80xf32, #tpu.memory_space<vmem_shared>>
        tpu.wait_indirect_dma semaphore(%arg13 : memref<!tpu.dma_semaphore, #tpu.memory_space<semaphore_mem>>) src(%arg10 : memref<128x80xf32, #tpu.memory_space<vmem>>) dst(%dma_wait3A_146 : memref<10240x80xf32, #tpu.memory_space<vmem_shared>>)
      } else {
      }
      %add3A_128 = arith.constant 2 : i32
      %add3A_129 = arith.addi %add3A_112, %add3A_128 : i32
      %lt3A_130 = arith.constant 156 : i32
      %lt3A_131 = arith.cmpi slt, %add3A_129, %lt3A_130 : i32
      %convert_element_type3A_132 = arith.extui %lt3A_131 : i1 to i32
      %cond3A_133 = arith.constant 0 : i32
      %cond3A_134 = arith.cmpi ne, %convert_element_type3A_132, %cond3A_133 : i32
      scf.if %cond3A_134 {
        %add3A_141 = arith.constant 2 : i32
        %add3A_142 = arith.addi %add3A_112, %add3A_141 : i32
        %dma_start3A_143 = arith.constant 0 : i32
        %dma_start3A_144 = tpu.memref_slice %arg6[%add3A_142, %dma_start3A_143] : memref<157x128xi32, #tpu.memory_space<vmem>> -> memref<1x128xi32, #tpu.memory_space<vmem>>
        %dma_start3A_145 = tpu.memref_squeeze %dma_start3A_144 : memref<1x128xi32, #tpu.memory_space<vmem>> -> memref<128xi32, #tpu.memory_space<vmem>>
        %dma_start3A_146 = arith.constant 0 : i32
        %dma_start3A_147 = arith.constant 0 : i32
        %dma_start3A_148 = tpu.memref_slice %arg2[%arg0, %dma_start3A_146, %dma_start3A_147] : memref<2x10240x80xf32, #tpu.memory_space<hbm>> -> memref<1x10240x80xf32, #tpu.memory_space<hbm>>
        %dma_start3A_149 = tpu.memref_squeeze %dma_start3A_148 : memref<1x10240x80xf32, #tpu.memory_space<hbm>> -> memref<10240x80xf32, #tpu.memory_space<hbm>>
        %dma_start3A_150 = arith.constant 0 : i32
        %dma_start3A_151 = arith.constant 0 : i32
        %dma_start3A_152 = tpu.memref_slice %dma_start3A_149[%dma_start3A_150, %dma_start3A_151] : memref<10240x80xf32, #tpu.memory_space<hbm>> -> memref<10240x80xf32, #tpu.memory_space<hbm>>
        tpu.enqueue_indirect_dma source(%dma_start3A_152 : memref<10240x80xf32, #tpu.memory_space<hbm>>) target(%arg9 : memref<128x80xf32, #tpu.memory_space<vmem>>) offsets(%dma_start3A_145 : memref<128xi32, #tpu.memory_space<vmem>>) semaphore(%arg12 : memref<!tpu.dma_semaphore, #tpu.memory_space<semaphore_mem>>)
      } else {
      }
      %dma_start3A_135 = arith.constant 0 : i32
      %dma_start3A_136 = tpu.memref_slice %arg7[%add3A_112, %dma_start3A_135] : memref<157x128xi32, #tpu.memory_space<vmem>> -> memref<1x128xi32, #tpu.memory_space<vmem>>
      %dma_start3A_137 = tpu.memref_squeeze %dma_start3A_136 : memref<1x128xi32, #tpu.memory_space<vmem>> -> memref<128xi32, #tpu.memory_space<vmem>>
      %dma_start3A_138 = arith.constant 0 : i32
      %dma_start3A_139 = arith.constant 0 : i32
      %dma_start3A_140 = tpu.memref_slice %arg11[%dma_start3A_138, %dma_start3A_139] : memref<10240x80xf32, #tpu.memory_space<vmem_shared>> -> memref<10240x80xf32, #tpu.memory_space<vmem_shared>>
      tpu.enqueue_indirect_dma source(%arg10 : memref<128x80xf32, #tpu.memory_space<vmem>>) target(%dma_start3A_140 : memref<10240x80xf32, #tpu.memory_space<vmem_shared>>) offsets(%dma_start3A_137 : memref<128xi32, #tpu.memory_space<vmem>>) semaphore(%arg13 : memref<!tpu.dma_semaphore, #tpu.memory_space<semaphore_mem>>) {add = true}
    }
    %scan3A_33 = arith.constant 52 : i32
    %dma_wait3A = arith.constant 0 : i32
    %dma_wait3A_34 = arith.constant 0 : i32
    %dma_wait3A_35 = tpu.memref_slice %arg7[%dma_wait3A, %dma_wait3A_34] : memref<157x128xi32, #tpu.memory_space<vmem>> -> memref<1x128xi32, #tpu.memory_space<vmem>>
    %dma_wait3A_36 = tpu.memref_squeeze %dma_wait3A_35 : memref<1x128xi32, #tpu.memory_space<vmem>> -> memref<128xi32, #tpu.memory_space<vmem>>
    %dma_wait3A_37 = arith.constant 0 : i32
    %dma_wait3A_38 = arith.constant 0 : i32
    %dma_wait3A_39 = tpu.memref_slice %arg11[%dma_wait3A_37, %dma_wait3A_38] : memref<10240x80xf32, #tpu.memory_space<vmem_shared>> -> memref<10240x80xf32, #tpu.memory_space<vmem_shared>>
    tpu.wait_indirect_dma semaphore(%arg13 : memref<!tpu.dma_semaphore, #tpu.memory_space<semaphore_mem>>) src(%arg8 : memref<128x80xf32, #tpu.memory_space<vmem>>) dst(%dma_wait3A_39 : memref<10240x80xf32, #tpu.memory_space<vmem_shared>>)
    %lt3A_40 = arith.constant 4 : i32
    %lt3A_41 = arith.cmpi slt, %arg1, %lt3A_40 : i32
    %convert_element_type3A_42 = arith.extui %lt3A_41 : i1 to i32
    %cond3A_43 = arith.constant 0 : i32
    %cond3A_44 = arith.cmpi ne, %convert_element_type3A_42, %cond3A_43 : i32
    scf.if %cond3A_44 {
      %dma_start3A_46 = arith.constant 156 : i32
      %dma_start3A_47 = arith.constant 0 : i32
      %dma_start3A_48 = tpu.memref_slice %arg6[%dma_start3A_46, %dma_start3A_47] : memref<157x128xi32, #tpu.memory_space<vmem>> -> memref<1x128xi32, #tpu.memory_space<vmem>>
      %dma_start3A_49 = tpu.memref_squeeze %dma_start3A_48 : memref<1x128xi32, #tpu.memory_space<vmem>> -> memref<128xi32, #tpu.memory_space<vmem>>
      %dma_start3A_50 = arith.constant 0 : i32
      %dma_start3A_51 = arith.constant 0 : i32
      %dma_start3A_52 = tpu.memref_slice %arg2[%arg0, %dma_start3A_50, %dma_start3A_51] : memref<2x10240x80xf32, #tpu.memory_space<hbm>> -> memref<1x10240x80xf32, #tpu.memory_space<hbm>>
      %dma_start3A_53 = tpu.memref_squeeze %dma_start3A_52 : memref<1x10240x80xf32, #tpu.memory_space<hbm>> -> memref<10240x80xf32, #tpu.memory_space<hbm>>
      %dma_start3A_54 = arith.constant 0 : i32
      %dma_start3A_55 = arith.constant 0 : i32
      %dma_start3A_56 = tpu.memref_slice %dma_start3A_53[%dma_start3A_54, %dma_start3A_55] : memref<10240x80xf32, #tpu.memory_space<hbm>> -> memref<10240x80xf32, #tpu.memory_space<hbm>>
      tpu.enqueue_indirect_dma source(%dma_start3A_56 : memref<10240x80xf32, #tpu.memory_space<hbm>>) target(%arg8 : memref<128x80xf32, #tpu.memory_space<vmem>>) offsets(%dma_start3A_49 : memref<128xi32, #tpu.memory_space<vmem>>) semaphore(%arg12 : memref<!tpu.dma_semaphore, #tpu.memory_space<semaphore_mem>>)
      %dma_wait3A_57 = arith.constant 156 : i32
      %dma_wait3A_58 = arith.constant 0 : i32
      %dma_wait3A_59 = tpu.memref_slice %arg6[%dma_wait3A_57, %dma_wait3A_58] : memref<157x128xi32, #tpu.memory_space<vmem>> -> memref<1x128xi32, #tpu.memory_space<vmem>>
      %dma_wait3A_60 = tpu.memref_squeeze %dma_wait3A_59 : memref<1x128xi32, #tpu.memory_space<vmem>> -> memref<128xi32, #tpu.memory_space<vmem>>
      %dma_wait3A_61 = arith.constant 0 : i32
      %dma_wait3A_62 = arith.constant 0 : i32
      %dma_wait3A_63 = tpu.memref_slice %arg2[%arg0, %dma_wait3A_61, %dma_wait3A_62] : memref<2x10240x80xf32, #tpu.memory_space<hbm>> -> memref<1x10240x80xf32, #tpu.memory_space<hbm>>
      %dma_wait3A_64 = tpu.memref_squeeze %dma_wait3A_63 : memref<1x10240x80xf32, #tpu.memory_space<hbm>> -> memref<10240x80xf32, #tpu.memory_space<hbm>>
      %dma_wait3A_65 = arith.constant 0 : i32
      %dma_wait3A_66 = arith.constant 0 : i32
      %dma_wait3A_67 = tpu.memref_slice %dma_wait3A_64[%dma_wait3A_65, %dma_wait3A_66] : memref<10240x80xf32, #tpu.memory_space<hbm>> -> memref<10240x80xf32, #tpu.memory_space<hbm>>
      tpu.wait_indirect_dma semaphore(%arg12 : memref<!tpu.dma_semaphore, #tpu.memory_space<semaphore_mem>>) src(%dma_wait3A_67 : memref<10240x80xf32, #tpu.memory_space<hbm>>) dst(%arg8 : memref<128x80xf32, #tpu.memory_space<vmem>>)
      %run_scoped3A_68 = arith.constant 156 : i32
      "tpu.region"() ({
        %run_scoped3A_69 = tpu.sem_alloc : memref<!tpu.dma_semaphore, #tpu.memory_space<semaphore_mem>>
        %dma_start3A_70 = arith.constant 0 : i32
        %dma_start3A_71 = tpu.memref_slice %arg7[%run_scoped3A_68, %dma_start3A_70] : memref<157x128xi32, #tpu.memory_space<vmem>> -> memref<1x128xi32, #tpu.memory_space<vmem>>
        %dma_start3A_72 = tpu.memref_squeeze %dma_start3A_71 : memref<1x128xi32, #tpu.memory_space<vmem>> -> memref<128xi32, #tpu.memory_space<vmem>>
        %dma_start3A_73 = arith.constant 0 : i32
        %dma_start3A_74 = arith.constant 0 : i32
        %dma_start3A_75 = tpu.memref_slice %arg11[%dma_start3A_73, %dma_start3A_74] : memref<10240x80xf32, #tpu.memory_space<vmem_shared>> -> memref<10240x80xf32, #tpu.memory_space<vmem_shared>>
        tpu.enqueue_indirect_dma source(%arg8 : memref<128x80xf32, #tpu.memory_space<vmem>>) target(%dma_start3A_75 : memref<10240x80xf32, #tpu.memory_space<vmem_shared>>) offsets(%dma_start3A_72 : memref<128xi32, #tpu.memory_space<vmem>>) semaphore(%run_scoped3A_69 : memref<!tpu.dma_semaphore, #tpu.memory_space<semaphore_mem>>) {add = true}
        %dma_wait3A_76 = arith.constant 0 : i32
        %dma_wait3A_77 = tpu.memref_slice %arg7[%run_scoped3A_68, %dma_wait3A_76] : memref<157x128xi32, #tpu.memory_space<vmem>> -> memref<1x128xi32, #tpu.memory_space<vmem>>
        %dma_wait3A_78 = tpu.memref_squeeze %dma_wait3A_77 : memref<1x128xi32, #tpu.memory_space<vmem>> -> memref<128xi32, #tpu.memory_space<vmem>>
        %dma_wait3A_79 = arith.constant 0 : i32
        %dma_wait3A_80 = arith.constant 0 : i32
        %dma_wait3A_81 = tpu.memref_slice %arg11[%dma_wait3A_79, %dma_wait3A_80] : memref<10240x80xf32, #tpu.memory_space<vmem_shared>> -> memref<10240x80xf32, #tpu.memory_space<vmem_shared>>
        tpu.wait_indirect_dma semaphore(%run_scoped3A_69 : memref<!tpu.dma_semaphore, #tpu.memory_space<semaphore_mem>>) src(%arg8 : memref<128x80xf32, #tpu.memory_space<vmem>>) dst(%dma_wait3A_81 : memref<10240x80xf32, #tpu.memory_space<vmem_shared>>)
        tpu.yield
      }) : () -> ()
    } else {
    }
    %barrier3A_45 = arith.constant 0 : index
    tpu.barrier barrier_id(%barrier3A_45)
    "tpu.region"() ({
      %run_scoped3A_46 = tpu.sem_alloc : memref<!tpu.dma_semaphore, #tpu.memory_space<semaphore_mem>>
      %dma_start3A_47 = arith.constant 0 : i32
      %dma_start3A_48 = tpu.memref_slice %arg5[%arg0, %mul3A_0, %dma_start3A_47] : memref<2x10240x80xf32, #tpu.memory_space<hbm>> -> memref<1x640x80xf32, #tpu.memory_space<hbm>>
      %dma_start3A_49 = tpu.memref_squeeze %dma_start3A_48 : memref<1x640x80xf32, #tpu.memory_space<hbm>> -> memref<640x80xf32, #tpu.memory_space<hbm>>
      %dma_start3A_50 = arith.constant 0 : i32
      %dma_start3A_51 = tpu.memref_slice %arg11[%mul3A_0, %dma_start3A_50] : memref<10240x80xf32, #tpu.memory_space<vmem_shared>> -> memref<640x80xf32, #tpu.memory_space<vmem_shared>>
      tpu.enqueue_dma source(%dma_start3A_51 : memref<640x80xf32, #tpu.memory_space<vmem_shared>>) target(%dma_start3A_49 : memref<640x80xf32, #tpu.memory_space<hbm>>) target_semaphore(%run_scoped3A_46 : memref<!tpu.dma_semaphore, #tpu.memory_space<semaphore_mem>>)
      %dma_wait3A_52 = arith.constant 0 : i32
      %dma_wait3A_53 = tpu.memref_slice %arg5[%arg0, %mul3A_0, %dma_wait3A_52] : memref<2x10240x80xf32, #tpu.memory_space<hbm>> -> memref<1x640x80xf32, #tpu.memory_space<hbm>>
      %dma_wait3A_54 = tpu.memref_squeeze %dma_wait3A_53 : memref<1x640x80xf32, #tpu.memory_space<hbm>> -> memref<640x80xf32, #tpu.memory_space<hbm>>
      %dma_wait3A_55 = arith.constant 0 : i32
      %dma_wait3A_56 = tpu.memref_slice %arg11[%mul3A_0, %dma_wait3A_55] : memref<10240x80xf32, #tpu.memory_space<vmem_shared>> -> memref<640x80xf32, #tpu.memory_space<vmem_shared>>
      tpu.wait_dma2 semaphore(%run_scoped3A_46 : memref<!tpu.dma_semaphore, #tpu.memory_space<semaphore_mem>>) src(%dma_wait3A_56 : memref<640x80xf32, #tpu.memory_space<vmem_shared>>) dst(%dma_wait3A_54 : memref<640x80xf32, #tpu.memory_space<hbm>>)
      tpu.yield
    }) : () -> ()
    return
  }
}

module attributes {stable_mosaic.version = 14 : i64} {
  func.func @_prep_body(%arg0: i32, %arg1: memref<1024x145xf32, #tpu.memory_space<vmem>>, %arg2: memref<2x1024x80xf32, #tpu.memory_space<vmem>>) attributes {dimension_semantics = [#tpu.dimension_semantics<arbitrary>], iteration_bounds = array<i64: 10>, scalar_prefetch = 0 : i64, scratch_operands = 0 : i64, tpu.core_type = #tpu.core_type<tc>, window_params = [{transform_indices = @transform_0, window_bounds = array<i64: 1024, 145>}, {transform_indices = @transform_1, window_bounds = array<i64: 2, 1024, 80>}]} {
    %get3A = arith.constant 0 : index
    %get3A_0 = arith.constant 0 : index
    %get3A_1 = vector.load %arg1[%get3A, %get3A_0] : memref<1024x145xf32, #tpu.memory_space<vmem>>, vector<1024x145xf32>
    %slice3A = vector.extract_strided_slice %get3A_1 {offsets = [0, 0], sizes = [1024, 80], strides = [1, 1]} : vector<1024x145xf32> to vector<1024x80xf32>
    %swap3A = arith.constant 0 : index
    %swap3A_2 = arith.constant 0 : index
    %swap3A_3 = arith.constant 0 : index
    %swap3A_4 = vector.load %arg2[%swap3A, %swap3A_2, %swap3A_3] : memref<2x1024x80xf32, #tpu.memory_space<vmem>>, vector<1x1024x80xf32>
    %swap3A_5 = vector.shape_cast %swap3A_4 : vector<1x1024x80xf32> to vector<1024x80xf32>
    %swap3A_6 = vector.shape_cast %slice3A : vector<1024x80xf32> to vector<1x1024x80xf32>
    tpu.vector_store %arg2[%swap3A, %swap3A_2, %swap3A_3], %swap3A_6 {strides = array<i32>} : memref<2x1024x80xf32, #tpu.memory_space<vmem>>, vector<1x1024x80xf32>,
    %slice3A_7 = vector.extract_strided_slice %get3A_1 {offsets = [0, 80], sizes = [1024, 65], strides = [1, 1]} : vector<1024x145xf32> to vector<1024x65xf32>
    %broadcast_in_dim3A = arith.constant 1.000000e+00 : f32
    %broadcast_in_dim3A_8 = vector.broadcast %broadcast_in_dim3A : f32 to vector<1024x1xf32>
    %broadcast_in_dim3A_9 = arith.constant 0.000000e+00 : f32
    %broadcast_in_dim3A_10 = vector.broadcast %broadcast_in_dim3A_9 : f32 to vector<1024x14xf32>
    %concatenate3A = tpu.concatenate %slice3A_7, %broadcast_in_dim3A_8, %broadcast_in_dim3A_10 in 1 : vector<1024x65xf32>, vector<1024x1xf32>, vector<1024x14xf32> -> vector<1024x80xf32>
    %swap3A_11 = arith.constant 1 : index
    %swap3A_12 = arith.constant 0 : index
    %swap3A_13 = arith.constant 0 : index
    %swap3A_14 = vector.load %arg2[%swap3A_11, %swap3A_12, %swap3A_13] : memref<2x1024x80xf32, #tpu.memory_space<vmem>>, vector<1x1024x80xf32>
    %swap3A_15 = vector.shape_cast %swap3A_14 : vector<1x1024x80xf32> to vector<1024x80xf32>
    %swap3A_16 = vector.shape_cast %concatenate3A : vector<1024x80xf32> to vector<1x1024x80xf32>
    tpu.vector_store %arg2[%swap3A_11, %swap3A_12, %swap3A_13], %swap3A_16 {strides = array<i32>} : memref<2x1024x80xf32, #tpu.memory_space<vmem>>, vector<1x1024x80xf32>,
    return
  }
  func.func @transform_0(%arg0: i32) -> (i32, i32) {
    %c0_i32 = arith.constant 0 : i32
    %c0_i32_0 = arith.constant 0 : i32
    return %arg0, %c0_i32 : i32, i32
  }
  func.func @transform_1(%arg0: i32) -> (i32, i32, i32) {
    %c0_i32 = arith.constant 0 : i32
    %c0_i32_0 = arith.constant 0 : i32
    %c0_i32_1 = arith.constant 0 : i32
    return %c0_i32, %arg0, %c0_i32_0 : i32, i32, i32
  }
}

module attributes {stable_mosaic.version = 14 : i64} {
  func.func @_tc_layer_body(%arg0: i32, %arg1: memref<2x1024x80xf32, #tpu.memory_space<vmem>>, %arg2: memref<2x1024x80xf32, #tpu.memory_space<vmem>>, %arg3: memref<1024x1xf32, #tpu.memory_space<vmem>>, %arg4: memref<160x160xf32, #tpu.memory_space<vmem>>, %arg5: memref<160x160xf32, #tpu.memory_space<vmem>>, %arg6: memref<160x160xf32, #tpu.memory_space<vmem>>, %arg7: memref<160x160xf32, #tpu.memory_space<vmem>>, %arg8: memref<1x160xf32, #tpu.memory_space<vmem>>, %arg9: memref<1x160xf32, #tpu.memory_space<vmem>>, %arg10: memref<2x1024x80xf32, #tpu.memory_space<vmem>>) attributes {dimension_semantics = [#tpu.dimension_semantics<arbitrary>], iteration_bounds = array<i64: 10>, scalar_prefetch = 0 : i64, scratch_operands = 0 : i64, tpu.core_type = #tpu.core_type<tc>, window_params = [{transform_indices = @transform_0, window_bounds = array<i64: 2, 1024, 80>}, {transform_indices = @transform_1, window_bounds = array<i64: 2, 1024, 80>}, {transform_indices = @transform_2, window_bounds = array<i64: 1024, 1>}, {pipeline_mode = #tpu.pipeline_mode<synchronous>, transform_indices = @transform_3, window_bounds = array<i64: 160, 160>}, {pipeline_mode = #tpu.pipeline_mode<synchronous>, transform_indices = @transform_4, window_bounds = array<i64: 160, 160>}, {pipeline_mode = #tpu.pipeline_mode<synchronous>, transform_indices = @transform_5, window_bounds = array<i64: 160, 160>}, {pipeline_mode = #tpu.pipeline_mode<synchronous>, transform_indices = @transform_6, window_bounds = array<i64: 160, 160>}, {pipeline_mode = #tpu.pipeline_mode<synchronous>, transform_indices = @transform_7, window_bounds = array<i64: 1, 160>}, {pipeline_mode = #tpu.pipeline_mode<synchronous>, transform_indices = @transform_8, window_bounds = array<i64: 1, 160>}, {transform_indices = @transform_9, window_bounds = array<i64: 2, 1024, 80>}]} {
    %get3A = arith.constant 0 : index
    %get3A_0 = arith.constant 0 : index
    %get3A_1 = arith.constant 0 : index
    %get3A_2 = vector.load %arg1[%get3A, %get3A_0, %get3A_1] : memref<2x1024x80xf32, #tpu.memory_space<vmem>>, vector<1x1024x80xf32>
    %get3A_3 = vector.shape_cast %get3A_2 : vector<1x1024x80xf32> to vector<1024x80xf32>
    %get3A_4 = arith.constant 1 : index
    %get3A_5 = arith.constant 0 : index
    %get3A_6 = arith.constant 0 : index
    %get3A_7 = vector.load %arg1[%get3A_4, %get3A_5, %get3A_6] : memref<2x1024x80xf32, #tpu.memory_space<vmem>>, vector<1x1024x80xf32>
    %get3A_8 = vector.shape_cast %get3A_7 : vector<1x1024x80xf32> to vector<1024x80xf32>
    %concatenate3A = tpu.concatenate %get3A_3, %get3A_8 in 1 : vector<1024x80xf32>, vector<1024x80xf32> -> vector<1024x160xf32>
    %slice3A = vector.extract_strided_slice %concatenate3A {offsets = [0, 145], sizes = [1024, 1], strides = [1, 1]} : vector<1024x160xf32> to vector<1024x1xf32>
    %max3A = arith.constant 1.000000e+00 : f32
    %max3A_9 = vector.broadcast %max3A : f32 to vector<1024x1xf32>
    %max3A_10 = arith.maximumf %slice3A, %max3A_9 : vector<1024x1xf32>
    %div3A = arith.constant 1.000000e+00 : f32
    %div3A_11 = vector.broadcast %div3A : f32 to vector<1024x1xf32>
    %div3A_12 = arith.divf %div3A_11, %max3A_10 : vector<1024x1xf32>
    %mul3A = vector.broadcast %div3A_12 : vector<1024x1xf32> to vector<1024x160xf32>
    %mul3A_13 = arith.mulf %concatenate3A, %mul3A : vector<1024x160xf32>
    %get3A_14 = arith.constant 0 : index
    %get3A_15 = arith.constant 0 : index
    %get3A_16 = arith.constant 0 : index
    %get3A_17 = vector.load %arg2[%get3A_14, %get3A_15, %get3A_16] : memref<2x1024x80xf32, #tpu.memory_space<vmem>>, vector<1x1024x80xf32>
    %get3A_18 = vector.shape_cast %get3A_17 : vector<1x1024x80xf32> to vector<1024x80xf32>
    %get3A_19 = arith.constant 1 : index
    %get3A_20 = arith.constant 0 : index
    %get3A_21 = arith.constant 0 : index
    %get3A_22 = vector.load %arg2[%get3A_19, %get3A_20, %get3A_21] : memref<2x1024x80xf32, #tpu.memory_space<vmem>>, vector<1x1024x80xf32>
    %get3A_23 = vector.shape_cast %get3A_22 : vector<1x1024x80xf32> to vector<1024x80xf32>
    %concatenate3A_24 = tpu.concatenate %get3A_18, %get3A_23 in 1 : vector<1024x80xf32>, vector<1024x80xf32> -> vector<1024x160xf32>
    %get3A_25 = arith.constant 0 : index
    %get3A_26 = arith.constant 0 : index
    %get3A_27 = vector.load %arg4[%get3A_25, %get3A_26] : memref<160x160xf32, #tpu.memory_space<vmem>>, vector<160x160xf32>
    %dot_general3A = arith.constant dense<0.000000e+00> : vector<1024x160xf32>
    %dot_general3A_28 = tpu.matmul %concatenate3A_24, %get3A_27, %dot_general3A {dimension_numbers = #tpu.dot_dimension_numbers<[1], [0], [0], [1], [0, 0, 1, 1], [], []>, transpose_lhs_hint = false} : vector<1024x160xf32>, vector<160x160xf32>, vector<1024x160xf32> -> vector<1024x160xf32>
    %get3A_29 = arith.constant 0 : index
    %get3A_30 = arith.constant 0 : index
    %get3A_31 = vector.load %arg5[%get3A_29, %get3A_30] : memref<160x160xf32, #tpu.memory_space<vmem>>, vector<160x160xf32>
    %dot_general3A_32 = arith.constant dense<0.000000e+00> : vector<1024x160xf32>
    %dot_general3A_33 = tpu.matmul %mul3A_13, %get3A_31, %dot_general3A_32 {dimension_numbers = #tpu.dot_dimension_numbers<[1], [0], [0], [1], [0, 0, 1, 1], [], []>, transpose_lhs_hint = false} : vector<1024x160xf32>, vector<160x160xf32>, vector<1024x160xf32> -> vector<1024x160xf32>
    %add3A = arith.addf %dot_general3A_28, %dot_general3A_33 : vector<1024x160xf32>
    %get3A_34 = arith.constant 0 : index
    %get3A_35 = arith.constant 0 : index
    %get3A_36 = vector.load %arg8[%get3A_34, %get3A_35] : memref<1x160xf32, #tpu.memory_space<vmem>>, vector<1x160xf32>
    %add3A_37 = vector.broadcast %get3A_36 : vector<1x160xf32> to vector<1024x160xf32>
    %add3A_38 = arith.addf %add3A, %add3A_37 : vector<1024x160xf32>
    %get3A_39 = arith.constant 0 : index
    %get3A_40 = arith.constant 0 : index
    %get3A_41 = vector.load %arg6[%get3A_39, %get3A_40] : memref<160x160xf32, #tpu.memory_space<vmem>>, vector<160x160xf32>
    %dot_general3A_42 = arith.constant dense<0.000000e+00> : vector<1024x160xf32>
    %dot_general3A_43 = tpu.matmul %concatenate3A_24, %get3A_41, %dot_general3A_42 {dimension_numbers = #tpu.dot_dimension_numbers<[1], [0], [0], [1], [0, 0, 1, 1], [], []>, transpose_lhs_hint = false} : vector<1024x160xf32>, vector<160x160xf32>, vector<1024x160xf32> -> vector<1024x160xf32>
    %get3A_44 = arith.constant 0 : index
    %get3A_45 = arith.constant 0 : index
    %get3A_46 = vector.load %arg7[%get3A_44, %get3A_45] : memref<160x160xf32, #tpu.memory_space<vmem>>, vector<160x160xf32>
    %dot_general3A_47 = arith.constant dense<0.000000e+00> : vector<1024x160xf32>
    %dot_general3A_48 = tpu.matmul %mul3A_13, %get3A_46, %dot_general3A_47 {dimension_numbers = #tpu.dot_dimension_numbers<[1], [0], [0], [1], [0, 0, 1, 1], [], []>, transpose_lhs_hint = false} : vector<1024x160xf32>, vector<160x160xf32>, vector<1024x160xf32> -> vector<1024x160xf32>
    %add3A_49 = arith.addf %dot_general3A_43, %dot_general3A_48 : vector<1024x160xf32>
    %get3A_50 = arith.constant 0 : index
    %get3A_51 = arith.constant 0 : index
    %get3A_52 = vector.load %arg9[%get3A_50, %get3A_51] : memref<1x160xf32, #tpu.memory_space<vmem>>, vector<1x160xf32>
    %add3A_53 = vector.broadcast %get3A_52 : vector<1x160xf32> to vector<1024x160xf32>
    %add3A_54 = arith.addf %add3A_49, %add3A_53 : vector<1024x160xf32>
    %get3A_55 = arith.constant 0 : index
    %get3A_56 = arith.constant 0 : index
    %get3A_57 = vector.load %arg3[%get3A_55, %get3A_56] : memref<1024x1xf32, #tpu.memory_space<vmem>>, vector<1024x1xf32>
    %mul3A_58 = vector.broadcast %get3A_57 : vector<1024x1xf32> to vector<1024x160xf32>
    %mul3A_59 = arith.mulf %mul3A_58, %add3A_38 : vector<1024x160xf32>
    %sub3A = arith.constant 1.000000e+00 : f32
    %sub3A_60 = vector.broadcast %sub3A : f32 to vector<1024x1xf32>
    %sub3A_61 = arith.subf %sub3A_60, %get3A_57 : vector<1024x1xf32>
    %mul3A_62 = vector.broadcast %sub3A_61 : vector<1024x1xf32> to vector<1024x160xf32>
    %mul3A_63 = arith.mulf %mul3A_62, %add3A_54 : vector<1024x160xf32>
    %add3A_64 = arith.addf %mul3A_59, %mul3A_63 : vector<1024x160xf32>
    %max3A_65 = arith.constant 0.000000e+00 : f32
    %max3A_66 = vector.broadcast %max3A_65 : f32 to vector<1024x160xf32>
    %max3A_67 = arith.maximumf %add3A_64, %max3A_66 : vector<1024x160xf32>
    %slice3A_68 = vector.extract_strided_slice %max3A_67 {offsets = [0, 0], sizes = [1024, 80], strides = [1, 1]} : vector<1024x160xf32> to vector<1024x80xf32>
    %swap3A = arith.constant 0 : index
    %swap3A_69 = arith.constant 0 : index
    %swap3A_70 = arith.constant 0 : index
    %swap3A_71 = vector.load %arg10[%swap3A, %swap3A_69, %swap3A_70] : memref<2x1024x80xf32, #tpu.memory_space<vmem>>, vector<1x1024x80xf32>
    %swap3A_72 = vector.shape_cast %swap3A_71 : vector<1x1024x80xf32> to vector<1024x80xf32>
    %swap3A_73 = vector.shape_cast %slice3A_68 : vector<1024x80xf32> to vector<1x1024x80xf32>
    tpu.vector_store %arg10[%swap3A, %swap3A_69, %swap3A_70], %swap3A_73 {strides = array<i32>} : memref<2x1024x80xf32, #tpu.memory_space<vmem>>, vector<1x1024x80xf32>,
    %slice3A_74 = vector.extract_strided_slice %max3A_67 {offsets = [0, 80], sizes = [1024, 80], strides = [1, 1]} : vector<1024x160xf32> to vector<1024x80xf32>
    %swap3A_75 = arith.constant 1 : index
    %swap3A_76 = arith.constant 0 : index
    %swap3A_77 = arith.constant 0 : index
    %swap3A_78 = vector.load %arg10[%swap3A_75, %swap3A_76, %swap3A_77] : memref<2x1024x80xf32, #tpu.memory_space<vmem>>, vector<1x1024x80xf32>
    %swap3A_79 = vector.shape_cast %swap3A_78 : vector<1x1024x80xf32> to vector<1024x80xf32>
    %swap3A_80 = vector.shape_cast %slice3A_74 : vector<1024x80xf32> to vector<1x1024x80xf32>
    tpu.vector_store %arg10[%swap3A_75, %swap3A_76, %swap3A_77], %swap3A_80 {strides = array<i32>} : memref<2x1024x80xf32, #tpu.memory_space<vmem>>, vector<1x1024x80xf32>,
    return
  }
  func.func @transform_0(%arg0: i32) -> (i32, i32, i32) {
    %c0_i32 = arith.constant 0 : i32
    %c0_i32_0 = arith.constant 0 : i32
    %c0_i32_1 = arith.constant 0 : i32
    return %c0_i32, %arg0, %c0_i32_0 : i32, i32, i32
  }
  func.func @transform_1(%arg0: i32) -> (i32, i32, i32) {
    %c0_i32 = arith.constant 0 : i32
    %c0_i32_0 = arith.constant 0 : i32
    %c0_i32_1 = arith.constant 0 : i32
    return %c0_i32, %arg0, %c0_i32_0 : i32, i32, i32
  }
  func.func @transform_2(%arg0: i32) -> (i32, i32) {
    %c0_i32 = arith.constant 0 : i32
    %c0_i32_0 = arith.constant 0 : i32
    return %arg0, %c0_i32 : i32, i32
  }
  func.func @transform_3(%arg0: i32) -> (i32, i32) {
    %c0_i32 = arith.constant 0 : i32
    %c0_i32_0 = arith.constant 0 : i32
    %c0_i32_1 = arith.constant 0 : i32
    return %c0_i32, %c0_i32_0 : i32, i32
  }
  func.func @transform_4(%arg0: i32) -> (i32, i32) {
    %c0_i32 = arith.constant 0 : i32
    %c0_i32_0 = arith.constant 0 : i32
    %c0_i32_1 = arith.constant 0 : i32
    return %c0_i32, %c0_i32_0 : i32, i32
  }
  func.func @transform_5(%arg0: i32) -> (i32, i32) {
    %c0_i32 = arith.constant 0 : i32
    %c0_i32_0 = arith.constant 0 : i32
    %c0_i32_1 = arith.constant 0 : i32
    return %c0_i32, %c0_i32_0 : i32, i32
  }
  func.func @transform_6(%arg0: i32) -> (i32, i32) {
    %c0_i32 = arith.constant 0 : i32
    %c0_i32_0 = arith.constant 0 : i32
    %c0_i32_1 = arith.constant 0 : i32
    return %c0_i32, %c0_i32_0 : i32, i32
  }
  func.func @transform_7(%arg0: i32) -> (i32, i32) {
    %c0_i32 = arith.constant 0 : i32
    %c0_i32_0 = arith.constant 0 : i32
    %c0_i32_1 = arith.constant 0 : i32
    return %c0_i32, %c0_i32_0 : i32, i32
  }
  func.func @transform_8(%arg0: i32) -> (i32, i32) {
    %c0_i32 = arith.constant 0 : i32
    %c0_i32_0 = arith.constant 0 : i32
    %c0_i32_1 = arith.constant 0 : i32
    return %c0_i32, %c0_i32_0 : i32, i32
  }
  func.func @transform_9(%arg0: i32) -> (i32, i32, i32) {
    %c0_i32 = arith.constant 0 : i32
    %c0_i32_0 = arith.constant 0 : i32
    %c0_i32_1 = arith.constant 0 : i32
    return %c0_i32, %arg0, %c0_i32_0 : i32, i32, i32
  }
}

module attributes {stable_mosaic.version = 14 : i64} {
  func.func @_tc_final_body(%arg0: i32, %arg1: memref<2x1000x80xf32, #tpu.memory_space<vmem>>, %arg2: memref<2x1000x80xf32, #tpu.memory_space<vmem>>, %arg3: memref<1000x1xf32, #tpu.memory_space<vmem>>, %arg4: memref<160x160xf32, #tpu.memory_space<vmem>>, %arg5: memref<160x160xf32, #tpu.memory_space<vmem>>, %arg6: memref<160x160xf32, #tpu.memory_space<vmem>>, %arg7: memref<160x160xf32, #tpu.memory_space<vmem>>, %arg8: memref<1x160xf32, #tpu.memory_space<vmem>>, %arg9: memref<1x160xf32, #tpu.memory_space<vmem>>, %arg10: memref<160x16xf32, #tpu.memory_space<vmem>>, %arg11: memref<1x16xf32, #tpu.memory_space<vmem>>, %arg12: memref<1000x16xf32, #tpu.memory_space<vmem>>) attributes {dimension_semantics = [#tpu.dimension_semantics<arbitrary>], iteration_bounds = array<i64: 10>, scalar_prefetch = 0 : i64, scratch_operands = 0 : i64, tpu.core_type = #tpu.core_type<tc>, window_params = [{transform_indices = @transform_0, window_bounds = array<i64: 2, 1000, 80>}, {transform_indices = @transform_1, window_bounds = array<i64: 2, 1000, 80>}, {transform_indices = @transform_2, window_bounds = array<i64: 1000, 1>}, {pipeline_mode = #tpu.pipeline_mode<synchronous>, transform_indices = @transform_3, window_bounds = array<i64: 160, 160>}, {pipeline_mode = #tpu.pipeline_mode<synchronous>, transform_indices = @transform_4, window_bounds = array<i64: 160, 160>}, {pipeline_mode = #tpu.pipeline_mode<synchronous>, transform_indices = @transform_5, window_bounds = array<i64: 160, 160>}, {pipeline_mode = #tpu.pipeline_mode<synchronous>, transform_indices = @transform_6, window_bounds = array<i64: 160, 160>}, {pipeline_mode = #tpu.pipeline_mode<synchronous>, transform_indices = @transform_7, window_bounds = array<i64: 1, 160>}, {pipeline_mode = #tpu.pipeline_mode<synchronous>, transform_indices = @transform_8, window_bounds = array<i64: 1, 160>}, {pipeline_mode = #tpu.pipeline_mode<synchronous>, transform_indices = @transform_9, window_bounds = array<i64: 160, 16>}, {pipeline_mode = #tpu.pipeline_mode<synchronous>, transform_indices = @transform_10, window_bounds = array<i64: 1, 16>}, {transform_indices = @transform_11, window_bounds = array<i64: 1000, 16>}]} {
    %get3A = arith.constant 0 : index
    %get3A_0 = arith.constant 0 : index
    %get3A_1 = arith.constant 0 : index
    %get3A_2 = vector.load %arg1[%get3A, %get3A_0, %get3A_1] : memref<2x1000x80xf32, #tpu.memory_space<vmem>>, vector<1x1000x80xf32>
    %get3A_3 = vector.shape_cast %get3A_2 : vector<1x1000x80xf32> to vector<1000x80xf32>
    %get3A_4 = arith.constant 1 : index
    %get3A_5 = arith.constant 0 : index
    %get3A_6 = arith.constant 0 : index
    %get3A_7 = vector.load %arg1[%get3A_4, %get3A_5, %get3A_6] : memref<2x1000x80xf32, #tpu.memory_space<vmem>>, vector<1x1000x80xf32>
    %get3A_8 = vector.shape_cast %get3A_7 : vector<1x1000x80xf32> to vector<1000x80xf32>
    %concatenate3A = tpu.concatenate %get3A_3, %get3A_8 in 1 : vector<1000x80xf32>, vector<1000x80xf32> -> vector<1000x160xf32>
    %slice3A = vector.extract_strided_slice %concatenate3A {offsets = [0, 145], sizes = [1000, 1], strides = [1, 1]} : vector<1000x160xf32> to vector<1000x1xf32>
    %max3A = arith.constant 1.000000e+00 : f32
    %max3A_9 = vector.broadcast %max3A : f32 to vector<1000x1xf32>
    %max3A_10 = arith.maximumf %slice3A, %max3A_9 : vector<1000x1xf32>
    %div3A = arith.constant 1.000000e+00 : f32
    %div3A_11 = vector.broadcast %div3A : f32 to vector<1000x1xf32>
    %div3A_12 = arith.divf %div3A_11, %max3A_10 : vector<1000x1xf32>
    %mul3A = vector.broadcast %div3A_12 : vector<1000x1xf32> to vector<1000x160xf32>
    %mul3A_13 = arith.mulf %concatenate3A, %mul3A : vector<1000x160xf32>
    %get3A_14 = arith.constant 0 : index
    %get3A_15 = arith.constant 0 : index
    %get3A_16 = arith.constant 0 : index
    %get3A_17 = vector.load %arg2[%get3A_14, %get3A_15, %get3A_16] : memref<2x1000x80xf32, #tpu.memory_space<vmem>>, vector<1x1000x80xf32>
    %get3A_18 = vector.shape_cast %get3A_17 : vector<1x1000x80xf32> to vector<1000x80xf32>
    %get3A_19 = arith.constant 1 : index
    %get3A_20 = arith.constant 0 : index
    %get3A_21 = arith.constant 0 : index
    %get3A_22 = vector.load %arg2[%get3A_19, %get3A_20, %get3A_21] : memref<2x1000x80xf32, #tpu.memory_space<vmem>>, vector<1x1000x80xf32>
    %get3A_23 = vector.shape_cast %get3A_22 : vector<1x1000x80xf32> to vector<1000x80xf32>
    %concatenate3A_24 = tpu.concatenate %get3A_18, %get3A_23 in 1 : vector<1000x80xf32>, vector<1000x80xf32> -> vector<1000x160xf32>
    %get3A_25 = arith.constant 0 : index
    %get3A_26 = arith.constant 0 : index
    %get3A_27 = vector.load %arg4[%get3A_25, %get3A_26] : memref<160x160xf32, #tpu.memory_space<vmem>>, vector<160x160xf32>
    %dot_general3A = arith.constant dense<0.000000e+00> : vector<1000x160xf32>
    %dot_general3A_28 = tpu.matmul %concatenate3A_24, %get3A_27, %dot_general3A {dimension_numbers = #tpu.dot_dimension_numbers<[1], [0], [0], [1], [0, 0, 1, 1], [], []>, transpose_lhs_hint = false} : vector<1000x160xf32>, vector<160x160xf32>, vector<1000x160xf32> -> vector<1000x160xf32>
    %get3A_29 = arith.constant 0 : index
    %get3A_30 = arith.constant 0 : index
    %get3A_31 = vector.load %arg5[%get3A_29, %get3A_30] : memref<160x160xf32, #tpu.memory_space<vmem>>, vector<160x160xf32>
    %dot_general3A_32 = arith.constant dense<0.000000e+00> : vector<1000x160xf32>
    %dot_general3A_33 = tpu.matmul %mul3A_13, %get3A_31, %dot_general3A_32 {dimension_numbers = #tpu.dot_dimension_numbers<[1], [0], [0], [1], [0, 0, 1, 1], [], []>, transpose_lhs_hint = false} : vector<1000x160xf32>, vector<160x160xf32>, vector<1000x160xf32> -> vector<1000x160xf32>
    %add3A = arith.addf %dot_general3A_28, %dot_general3A_33 : vector<1000x160xf32>
    %get3A_34 = arith.constant 0 : index
    %get3A_35 = arith.constant 0 : index
    %get3A_36 = vector.load %arg8[%get3A_34, %get3A_35] : memref<1x160xf32, #tpu.memory_space<vmem>>, vector<1x160xf32>
    %add3A_37 = vector.broadcast %get3A_36 : vector<1x160xf32> to vector<1000x160xf32>
    %add3A_38 = arith.addf %add3A, %add3A_37 : vector<1000x160xf32>
    %get3A_39 = arith.constant 0 : index
    %get3A_40 = arith.constant 0 : index
    %get3A_41 = vector.load %arg6[%get3A_39, %get3A_40] : memref<160x160xf32, #tpu.memory_space<vmem>>, vector<160x160xf32>
    %dot_general3A_42 = arith.constant dense<0.000000e+00> : vector<1000x160xf32>
    %dot_general3A_43 = tpu.matmul %concatenate3A_24, %get3A_41, %dot_general3A_42 {dimension_numbers = #tpu.dot_dimension_numbers<[1], [0], [0], [1], [0, 0, 1, 1], [], []>, transpose_lhs_hint = false} : vector<1000x160xf32>, vector<160x160xf32>, vector<1000x160xf32> -> vector<1000x160xf32>
    %get3A_44 = arith.constant 0 : index
    %get3A_45 = arith.constant 0 : index
    %get3A_46 = vector.load %arg7[%get3A_44, %get3A_45] : memref<160x160xf32, #tpu.memory_space<vmem>>, vector<160x160xf32>
    %dot_general3A_47 = arith.constant dense<0.000000e+00> : vector<1000x160xf32>
    %dot_general3A_48 = tpu.matmul %mul3A_13, %get3A_46, %dot_general3A_47 {dimension_numbers = #tpu.dot_dimension_numbers<[1], [0], [0], [1], [0, 0, 1, 1], [], []>, transpose_lhs_hint = false} : vector<1000x160xf32>, vector<160x160xf32>, vector<1000x160xf32> -> vector<1000x160xf32>
    %add3A_49 = arith.addf %dot_general3A_43, %dot_general3A_48 : vector<1000x160xf32>
    %get3A_50 = arith.constant 0 : index
    %get3A_51 = arith.constant 0 : index
    %get3A_52 = vector.load %arg9[%get3A_50, %get3A_51] : memref<1x160xf32, #tpu.memory_space<vmem>>, vector<1x160xf32>
    %add3A_53 = vector.broadcast %get3A_52 : vector<1x160xf32> to vector<1000x160xf32>
    %add3A_54 = arith.addf %add3A_49, %add3A_53 : vector<1000x160xf32>
    %get3A_55 = arith.constant 0 : index
    %get3A_56 = arith.constant 0 : index
    %get3A_57 = vector.load %arg3[%get3A_55, %get3A_56] : memref<1000x1xf32, #tpu.memory_space<vmem>>, vector<1000x1xf32>
    %mul3A_58 = vector.broadcast %get3A_57 : vector<1000x1xf32> to vector<1000x160xf32>
    %mul3A_59 = arith.mulf %mul3A_58, %add3A_38 : vector<1000x160xf32>
    %sub3A = arith.constant 1.000000e+00 : f32
    %sub3A_60 = vector.broadcast %sub3A : f32 to vector<1000x1xf32>
    %sub3A_61 = arith.subf %sub3A_60, %get3A_57 : vector<1000x1xf32>
    %mul3A_62 = vector.broadcast %sub3A_61 : vector<1000x1xf32> to vector<1000x160xf32>
    %mul3A_63 = arith.mulf %mul3A_62, %add3A_54 : vector<1000x160xf32>
    %add3A_64 = arith.addf %mul3A_59, %mul3A_63 : vector<1000x160xf32>
    %max3A_65 = arith.constant 0.000000e+00 : f32
    %max3A_66 = vector.broadcast %max3A_65 : f32 to vector<1000x160xf32>
    %max3A_67 = arith.maximumf %add3A_64, %max3A_66 : vector<1000x160xf32>
    %get3A_68 = arith.constant 0 : index
    %get3A_69 = arith.constant 0 : index
    %get3A_70 = vector.load %arg10[%get3A_68, %get3A_69] : memref<160x16xf32, #tpu.memory_space<vmem>>, vector<160x16xf32>
    %dot_general3A_71 = arith.constant dense<0.000000e+00> : vector<1000x16xf32>
    %dot_general3A_72 = tpu.matmul %max3A_67, %get3A_70, %dot_general3A_71 {dimension_numbers = #tpu.dot_dimension_numbers<[1], [0], [0], [1], [0, 0, 1, 1], [], []>, transpose_lhs_hint = false} : vector<1000x160xf32>, vector<160x16xf32>, vector<1000x16xf32> -> vector<1000x16xf32>
    %get3A_73 = arith.constant 0 : index
    %get3A_74 = arith.constant 0 : index
    %get3A_75 = vector.load %arg11[%get3A_73, %get3A_74] : memref<1x16xf32, #tpu.memory_space<vmem>>, vector<1x16xf32>
    %add3A_76 = vector.broadcast %get3A_75 : vector<1x16xf32> to vector<1000x16xf32>
    %add3A_77 = arith.addf %dot_general3A_72, %add3A_76 : vector<1000x16xf32>
    %reduce_max3A = arith.constant dense<0xFF800000> : vector<1000xf32>
    %reduce_max3A_78 = vector.multi_reduction <maximumf>, %add3A_77, %reduce_max3A [1] : vector<1000x16xf32> to vector<1000xf32>
    %broadcast_in_dim3A = vector.shape_cast %reduce_max3A_78 : vector<1000xf32> to vector<1000x1xf32>
    %sub3A_79 = vector.broadcast %broadcast_in_dim3A : vector<1000x1xf32> to vector<1000x16xf32>
    %sub3A_80 = arith.subf %add3A_77, %sub3A_79 : vector<1000x16xf32>
    %exp3A = math.exp %sub3A_80 : vector<1000x16xf32>
    %reduce_sum3A = arith.constant dense<0.000000e+00> : vector<1000xf32>
    %reduce_sum3A_81 = vector.multi_reduction <add>, %exp3A, %reduce_sum3A [1] : vector<1000x16xf32> to vector<1000xf32>
    %broadcast_in_dim3A_82 = vector.shape_cast %reduce_sum3A_81 : vector<1000xf32> to vector<1000x1xf32>
    %log3A = math.log %broadcast_in_dim3A_82 : vector<1000x1xf32>
    %sub3A_83 = vector.broadcast %log3A : vector<1000x1xf32> to vector<1000x16xf32>
    %sub3A_84 = arith.subf %sub3A_80, %sub3A_83 : vector<1000x16xf32>
    %swap3A = arith.constant 0 : index
    %swap3A_85 = arith.constant 0 : index
    %swap3A_86 = vector.load %arg12[%swap3A, %swap3A_85] : memref<1000x16xf32, #tpu.memory_space<vmem>>, vector<1000x16xf32>
    tpu.vector_store %arg12[%swap3A, %swap3A_85], %sub3A_84 {strides = array<i32>} : memref<1000x16xf32, #tpu.memory_space<vmem>>, vector<1000x16xf32>,
    return
  }
  func.func @transform_0(%arg0: i32) -> (i32, i32, i32) {
    %c0_i32 = arith.constant 0 : i32
    %c0_i32_0 = arith.constant 0 : i32
    %c0_i32_1 = arith.constant 0 : i32
    return %c0_i32, %arg0, %c0_i32_0 : i32, i32, i32
  }
  func.func @transform_1(%arg0: i32) -> (i32, i32, i32) {
    %c0_i32 = arith.constant 0 : i32
    %c0_i32_0 = arith.constant 0 : i32
    %c0_i32_1 = arith.constant 0 : i32
    return %c0_i32, %arg0, %c0_i32_0 : i32, i32, i32
  }
  func.func @transform_2(%arg0: i32) -> (i32, i32) {
    %c0_i32 = arith.constant 0 : i32
    %c0_i32_0 = arith.constant 0 : i32
    return %arg0, %c0_i32 : i32, i32
  }
  func.func @transform_3(%arg0: i32) -> (i32, i32) {
    %c0_i32 = arith.constant 0 : i32
    %c0_i32_0 = arith.constant 0 : i32
    %c0_i32_1 = arith.constant 0 : i32
    return %c0_i32, %c0_i32_0 : i32, i32
  }
  func.func @transform_4(%arg0: i32) -> (i32, i32) {
    %c0_i32 = arith.constant 0 : i32
    %c0_i32_0 = arith.constant 0 : i32
    %c0_i32_1 = arith.constant 0 : i32
    return %c0_i32, %c0_i32_0 : i32, i32
  }
  func.func @transform_5(%arg0: i32) -> (i32, i32) {
    %c0_i32 = arith.constant 0 : i32
    %c0_i32_0 = arith.constant 0 : i32
    %c0_i32_1 = arith.constant 0 : i32
    return %c0_i32, %c0_i32_0 : i32, i32
  }
  func.func @transform_6(%arg0: i32) -> (i32, i32) {
    %c0_i32 = arith.constant 0 : i32
    %c0_i32_0 = arith.constant 0 : i32
    %c0_i32_1 = arith.constant 0 : i32
    return %c0_i32, %c0_i32_0 : i32, i32
  }
  func.func @transform_7(%arg0: i32) -> (i32, i32) {
    %c0_i32 = arith.constant 0 : i32
    %c0_i32_0 = arith.constant 0 : i32
    %c0_i32_1 = arith.constant 0 : i32
    return %c0_i32, %c0_i32_0 : i32, i32
  }
  func.func @transform_8(%arg0: i32) -> (i32, i32) {
    %c0_i32 = arith.constant 0 : i32
    %c0_i32_0 = arith.constant 0 : i32
    %c0_i32_1 = arith.constant 0 : i32
    return %c0_i32, %c0_i32_0 : i32, i32
  }
  func.func @transform_9(%arg0: i32) -> (i32, i32) {
    %c0_i32 = arith.constant 0 : i32
    %c0_i32_0 = arith.constant 0 : i32
    %c0_i32_1 = arith.constant 0 : i32
    return %c0_i32, %c0_i32_0 : i32, i32
  }
  func.func @transform_10(%arg0: i32) -> (i32, i32) {
    %c0_i32 = arith.constant 0 : i32
    %c0_i32_0 = arith.constant 0 : i32
    %c0_i32_1 = arith.constant 0 : i32
    return %c0_i32, %c0_i32_0 : i32, i32
  }
  func.func @transform_11(%arg0: i32) -> (i32, i32) {
    %c0_i32 = arith.constant 0 : i32
    %c0_i32_0 = arith.constant 0 : i32
    return %arg0, %c0_i32 : i32, i32
  }
}

</mosaic_0001>

<sc_bundles>
// kernel: kernel.10.cloned.1.call-start
scs
__scs_entry_jumppad:
0x0: {  	(pc) =	sbr.rel $0x88, $3  }
0x1: {  	(tag) =	ssettag $0x0;
	lr =	simm.s32 $0x1  }
0x2: {  	[smem:$0x3F8C] =	sst lr;
	_ =	strace $0xD0000000  }
0x3: {  	_ = 	snop  }
0x4: {  	_ = 	snop  }
0x5: {  	_ = 	snop  }
0x6: {  	_ = 	snop  }
0x7: {  	_ = 	snop  }
__scs_overlays_trampoline_lowered:
0x8: {  	[smem:$0x3F9B] =	sst s0  }
0x9: {  	[smem:$0x3F9C] =	sst s1  }
0xa: {  	[smem:$0x3F9D] =	sst s2  }
0xb: {  	[smem:$0x3F9E] =	sst s3  }
0xc: {  	[smem:$0x3F9F] =	sst s4  }
0xd: {  	[smem:$0x3FA0] =	sst s5  }
0xe: {  	[smem:$0x3FA1] =	sst s6  }
0xf: {  	[smem:$0x3FA2] =	sst s7  }
0x10: {  	[smem:$0x3FA3] =	sst s8  }
0x11: {  	[smem:$0x3FA4] =	sst s9;
	s0 =	simm.s32 @!p0 $0x0  }
0x12: {  	s1 =	sld [smem:$0x3F8A];
	s0 =	simm.s32 @p0 $0x1  }
0x13: {  	[smem:$0x3FA5] =	sst s0;
	s0 =	simm.s32 @!p1 $0x0  }
0x14: {  	s2 =	sld [smem:$0x3F89];
	s0 =	simm.s32 @p1 $0x1  }
0x15: {  	[smem:$0x3FA6] =	sst s0;
	s0 =	simm.s32 @!p2 $0x0  }
0x16: {  	s3 =	sld [smem:$0x3FDB];
	s0 =	simm.s32 @p2 $0x1  }
0x17: {  	s4 =	simm.s32 $0x1BF5;
	[smem:$0x3FA8] =	sst s0  }
0x18: {  	s0 =	sld [smem:$0x3F8B];
	_ =	swait.ge [sflag:s4], $0x0  }
0x19: {  	s7 =	sld [smem:$0x3F8C]  }
0x1a: {  	s8 =	sadd.s32 $0xFFFFE003, lr  }
0x1b: {  	s9 =	sadd.s32 $0xFFFFFEF7, lr;
	s5 =	simm.s32 $0xFFFFFFFF;
	p2 =	slt.u32 s8, $0xFFFFF086  }
0x1c: {  	p1 =	slt.u32 s9, $0xF7A;
	s5 =	simm.s32 @!p2 $0x0  }
0x1d: {  	s5 =	simm.s32 @p1 $0x1;
	p0 =	seq.s32 s7, s2  }
0x1e: {  	s7 =	smul.u32 @!p0 $0xF7A, s2;
	p2 =	seq.s32 @!p0 s5, $0x0  }
0x1f: {  	s9 =	smul.u32 $0xF7A, s1;
	s8 =	simm.s32 @!p0 $0x1BF5;
	p2 =	por !p2, p0  }
0x20: {  	[sflag:s8] =	ssyncset.s32 @!p0 $0xFFFFF086;
	s6 =	sadd.s32 @!p0 s3, s7;
	s7 =	simm.s32 @!p0 $0x108  }
0x21: {  	s3 =	sadd.s32 s3, s9;
	s6 =	sadd.s32 @!p0 $0x88, s6;
	s7 =	simm.s32 @p2 $0x1082  }
0x22: {  	[simem:s7], [sflag:s8] =	dma.local @!p0 [hbm:s6], $0xF7A  }
0x23: {  	s9 =	sor.u32 $0xD0000000, s2;
	s6 =	simm.s32 $0x108;
	_ =	swait.ge @!p0 [sflag:s8], $0x0  }
0x24: {  	s3 =	sadd.s32 $0x88, s3;
	s6 =	simm.s32 @!p1 $0x1082;
	[sflag:s4] =	ssyncset.s32 $0xFFFFF086  }
0x25: {  	[simem:s6], [sflag:s4] =	dma.local [hbm:s3], $0xF7A  }
0x26: {  	[smem:$0x3F8C] =	sst s1;
	(tag) =	ssettag s2;
	_ =	strace s9  }
0x27: {  	s1 =	sld [smem:$0x3F9C]  }
0x28: {  	s2 =	sld [smem:$0x3F9D]  }
0x29: {  	s4 =	sld [smem:$0x3F9F]  }
0x2a: {  	p0 =	seq.s32 s5, $0x0;
	s5 =	sld [smem:$0x3FA0]  }
0x2b: {  	s6 =	sld [smem:$0x3FA1]  }
0x2c: {  	s7 =	sld [smem:$0x3FA2]  }
0x2d: {  	s3 =	simm.s32 $0x108;
	s8 =	sld [smem:$0x3FA3]  }
0x2e: {  	s3 =	simm.s32 @!p0 $0x1082;
	s9 =	sld [smem:$0x3FA4]  }
0x2f: {  	lr =	sadd.s32 s0, s3;
	s0 =	sld [smem:$0x3F9B]  }
0x30: {  	s3 =	sld [smem:$0x3F9E]  }
0x31: {  	[smem:$0x3FA7] =	sst s10  }
0x32: {  	s10 =	sld [smem:$0x3FA5];
	_ =	sdelay $0x3  }
0x33: {  	p0 =	seq.s32 s10, $0x1;
	s10 =	sld [smem:$0x3FA7];
	_ =	sdelay $0x3  }
0x34: {  	[smem:$0x3FA7] =	sst s10  }
0x35: {  	s10 =	sld [smem:$0x3FA6];
	_ =	sdelay $0x3  }
0x36: {  	p1 =	seq.s32 s10, $0x1;
	s10 =	sld [smem:$0x3FA7];
	_ =	sdelay $0x3  }
0x37: {  	[smem:$0x3FA7] =	sst s10  }
0x38: {  	s10 =	sld [smem:$0x3FA8]  }
0x39: {  	_ = 	snop;
	(pc) =	sbr.ind lr, $3  }
0x3a: {  	_ = 	snop  }
0x3b: {  	_ = 	snop  }
0x3c: {  	p2 =	seq.s32 s10, $0x1;
	s10 =	sld [smem:$0x3FA7]  }
0x3d: {  	_ =	shalt  }
0x3e: {  	_ =	shalt  }
0x3f: {  	_ =	shalt  }
0x40: {  	_ =	shalt  }
0x41: {  	_ =	shalt  }
0x42: {  	_ =	shalt  }
0x43: {  	_ =	shalt  }
0x44: {  	_ =	shalt  }
0x45: {  	_ =	shalt  }
0x46: {  	_ =	shalt  }
0x47: {  	_ =	shalt  }
0x48: {  	_ =	shalt  }
0x49: {  	_ =	shalt  }
0x4a: {  	_ =	shalt  }
0x4b: {  	_ =	shalt  }
0x4c: {  	_ =	shalt  }
0x4d: {  	_ =	shalt  }
0x4e: {  	_ =	shalt  }
0x4f: {  	_ =	shalt  }
0x50: {  	_ =	shalt  }
0x51: {  	_ =	shalt  }
0x52: {  	_ =	shalt  }
0x53: {  	_ =	shalt  }
0x54: {  	_ =	shalt  }
0x55: {  	_ =	shalt  }
0x56: {  	_ =	shalt  }
0x57: {  	_ =	shalt  }
0x58: {  	_ =	shalt  }
0x59: {  	_ =	shalt  }
0x5a: {  	_ =	shalt  }
0x5b: {  	_ =	shalt  }
0x5c: {  	_ =	shalt  }
0x5d: {  	_ =	shalt  }
0x5e: {  	_ =	shalt  }
0x5f: {  	_ =	shalt  }
0x60: {  	_ =	shalt  }
0x61: {  	_ =	shalt  }
0x62: {  	_ =	shalt  }
0x63: {  	_ =	shalt  }
0x64: {  	_ =	shalt  }
0x65: {  	_ =	shalt  }
0x66: {  	_ =	shalt  }
0x67: {  	_ =	shalt  }
0x68: {  	_ =	shalt  }
0x69: {  	_ =	shalt  }
0x6a: {  	_ =	shalt  }
0x6b: {  	_ =	shalt  }
0x6c: {  	_ =	shalt  }
0x6d: {  	_ =	shalt  }
0x6e: {  	_ =	shalt  }
0x6f: {  	_ =	shalt  }
0x70: {  	_ =	shalt  }
0x71: {  	_ =	shalt  }
0x72: {  	_ =	shalt  }
0x73: {  	_ =	shalt  }
0x74: {  	_ =	shalt  }
0x75: {  	_ =	shalt  }
0x76: {  	_ =	shalt  }
0x77: {  	_ =	shalt  }
0x78: {  	_ =	shalt  }
0x79: {  	_ =	shalt  }
0x7a: {  	_ =	shalt  }
0x7b: {  	_ =	shalt  }
0x7c: {  	_ =	shalt  }
0x7d: {  	_ =	shalt  }
0x7e: {  	_ =	shalt  }
0x7f: {  	_ =	shalt  }
0x80: {  	_ =	shalt  }
0x81: {  	_ =	shalt  }
0x82: {  	_ =	shalt  }
0x83: {  	_ =	shalt  }
0x84: {  	_ =	shalt  }
0x85: {  	_ =	shalt  }
0x86: {  	_ =	shalt  }
0x87: {  	_ =	shalt  }
.Lfunc_end0:
.L_simem_size_0:
called_computation.1_lowered:
.L_overlay_start_0:
0x88: {  	s2 =	sld [smem:$0x3FD9]  }
0x89: {  	s3 =	sld [smem:$0x3FFE];
	_ =	sdelay $0x1  }
0x8a: {  	s1 =	srdreg.scid  }
0x8b: {  	s0 =	sand.u32 $0x1, s1  }
0x8c: {  	s16 =	sshll.u32 s0, $0xA;
	s2 =	sadd.s32 s3, s2  }
0x8d: {  	s2 =	sadd.s32 s2, s16  }
0x8e: {  	[smem:$0x3FB3] =	sst s2  }
0x8f: {  	_ = 	snop  }
0x90: {  	(tm) =	ssettm $0x1  }
0x91: {  	s17 =	sld [smem:$0x3FFB];
	_ =	sdelay $0x3  }
0x92: {  	_ =	strace s17  }
0x93: {  	s2 =	sld [smem:$0x3FFC];
	_ =	sdelay $0x3  }
0x94: {  	_ =	strace s2  }
0x95: {  	s2 =	sld [smem:$0x3FFD];
	_ =	sdelay $0x3  }
0x96: {  	_ =	strace s2  }
0x97: {  	_ =	strace $0x8FFFFFFF  }
0x98: {  	s18 =	sld [smem:$0x3FDB];
	_ =	sdelay $0x1  }
0x99: {  	s19 =	simm.s32 $_scs_section_size  }
0x9a: {  	s4 =	simm.s32 $_size__tile_overlayer_lowered;
	s5 =	simm.s32 $_tile_overlayer_lowered  }
0x9b: {  	s22 =	simm.s32 $0x1BFF;
	s21 =	sshll.u32 s5, $0x1;
	s2 =	sadd.s32 s19, s18  }
0x9c: {  	s6 =	simm.s32 $0x0;
	s20 =	sshll.u32 s4, $0x1;
	s4 =	sadd.s32 s21, s2  }
0x9d: {  	[timem:s6], [sflag:s22] =	dma.local [hbm:s4], s20  }
0x9e: {  	_ =	swait.ge [sflag:s22], s20  }
0x9f: {  	s3 =	ssub.s32 $0x0, s20;
	[sflag:s22] =	ssyncset.done $0x0  }
0xa0: {  	[sflag:s22] =	ssyncadd.s32 s3;
	_ =	sdelay $0x1  }
0xa1: {  	s23 =	simm.s32 $0x1B8B  }
0xa2: {  	_ =	swait.ge [sflag:s23], $0x1  }
0xa3: {  	[sflag:s23] =	ssyncset.done $0x0  }
0xa4: {  	s25 =	simm.s32 $0x1B8E;
	s24 =	sld [smem:$0x3FFE];
	[sflag:s23] =	ssyncadd.s32 $0xFFFFFFFF  }
0xa5: {  	s26 =	simm.s32 $execute0_lowered;
	[smem:$0x3FD2] =	sst s25  }
0xa6: {  	s4 =	sshll.u32 s26, $0x1;
	_ =	strace $0x80000049;
	[dreg:$0x1] =	wrdreg $0xFFFFFFFF  }
0xa7: {  	s28 =	simm.s32 $_size_execute0_lowered;
	s2 =	sadd.s32 s2, s4;
	[dreg:$0x0] =	wrdreg $0x0  }
0xa8: {  	s4 =	sshll.u32 s28, $0x1;
	[dreg:$0x2] =	wrdreg s2  }
0xa9: {  	[dreg:$0x3] =	wrdreg s4  }
0xaa: {  	[dreg:$0x4] =	wrdreg $0xC0  }
0xab: {  	_ =	task [dreg:s6], $0x5FFFF  }
0xac: {  	[dreg:$0x1] =	wrdreg $0xFFFFFFFF  }
0xad: {  	[dreg:$0x0] =	wrdreg $0x60  }
0xae: {  	[dreg:$0x2] =	wrdreg s24  }
0xaf: {  	[dreg:$0x3] =	wrdreg $0x115000  }
0xb0: {  	[dreg:$0x4] =	wrdreg $0x9  }
0xb1: {  	_ =	task.clear_ibuf [dreg:s6], $0x5FFFF;
	_ =	strace $0x90000049  }
0xb2: {  	s29 =	simm.s32 $0x9;
	_ =	strace $0x8000004B  }
0xb3: {  	_ =	swait.ge [sflag:s29], $0x1  }
0xb4: {  	[sflag:s29] =	ssyncadd.s32 $0xFFFFFFFF  }
0xb5: {  	_ =	strace $0x9000004B  }
0xb6: {  	_ =	sfence  }
0xb7: {  	s30 =	sld [smem:$0x0];
	_ =	sdelay $0x2  }
0xb8: {  	s31 =	sshll.u32 s1, $0xD;
	s1 =	sshrl.u32 s1, $0x2  }
0xb9: {  	s3 =	sand.u32 $0x4000, s31;
	s1 =	sadd.s32 s1, s30  }
0xba: {  	s0 =	sor.u32 s3, s0;
	s1 =	sshll.u32 s1, $0x11  }
0xbb: {  	s0 =	sor.u32 s1, s0  }
0xbc: {  	s0 =	sadd.s32 $0x8F2B, s0  }
0xbd: {  	[sflag:s0] =	ssyncadd.remote.s32 $0x1  }
0xbe: {  	_ =	sfence.sel $0xFFFF  }
0xbf: {  	[dreg:$0x0] =	wrdreg $0xFFFFFFFF;
	(pc) =	sbr.abs _section_cstart, $3  }
0xc0: {  	[dreg:$0x1] =	wrdreg $0xFFFFFFFF  }
0xc1: {  	_ =	task.clear_ibuf [dreg:s6], $0x2FFFF;
	_ =	strace $0x9FFFFFFF  }
0xc2: {  	(tm) =	ssettm $0x7FFFFFFF  }
0xc3: {  	_ =	shalt  }
tec
execute0_lowered:
.L_overlay_start_1:
0x0: {  	(tag) =	ssettag $0x1  }
0x1: {  	s0 =	srdreg.scid;
	s4 =	rddreg [dreg:$0x0]  }
0x2: {  	s2 =	rddreg [dreg:$0x1];
	s3 =	simm.s32 $0x0;
	s1 =	stileid.u32  }
0x3: {  	s16 =	simm.s32 $0x80;
	s17 =	simm.s32 $0x9D00;
	s18 =	simm.s32 $0xC500  }
0x4: {  	s19 =	simm.s32 $0x1;
	s20 =	simm.s32 $0x100;
	s21 =	simm.s32 $0xED00  }
0x5: {  	s22 =	simm.s32 $0x2;
	s23 =	simm.s32 $0x180;
	s24 =	simm.s32 $0x4F00  }
0x6: {  	s25 =	simm.s32 $0x200;
	s28 =	simm.s32 $0x0;
	s5 =	sand.u32 $0x1, s0  }
0x7: {  	[smem:$0x7FF] =	sst s3;
	s8 =	smul.u32 $0xC800, s1;
	s9 =	sadd.s32 $0x84E00, s4  }
0x8: {  	s12 =	smul.u32 $0x4E00, s1;
	s30 =	sshll.u32 s1, $0x6;
	s31 =	sshll.u32 s1, $0x4  }
0x9: {  	p0 =	sgt.u32 s1, $0x3;
	s6 =	smul.u32 $0xC8000, s5;
	s5 =	ssub.s32 $0x2, s5  }
0xa: {  	_ =	strace $0x8000004A;
	s26 =	sshrl.u32 s8, $0x3;
	s11 =	sshrl.u32 s5, $0x1  }
0xb: {  	s15 =	sadd.s32 s8, s2;
	s29 =	sshrl.u32 s12, $0x3;
	s7 =	sshrl.u32 s6, $0x3  }
0xc: {  	s6 =	sadd.s32 s8, s6;
	s14 =	ssub.s32 s5, s11;
	s5 =	sadd.s32 s9, s29  }
0xd: {  	s9 =	sadd.s32 s31, s9;
	s10 =	sadd.s32 s7, s4;
	s6 =	sshrl.u32 s6, $0x3  }
.Ltmp0:
0xe: {  	s7 =	sadd.s32 s26, s4;
	s8 =	sadd.s32 $0x9C00, s9;
	(pc) =	sbr.rel .LBB2_1-.Ltmp0, $4  }
0xf: {  	s9 =	sadd.s32 $0x13840, s9;
	s12 =	smax.u32 s14, $0x1;
	s14 =	simm.s32 $0x3  }
0x10: {  	s26 =	simm.s32 $0x4F80;
	s13 =	sadd.s32 s6, s4;
	s4 =	sadd.s32 $0x98800, s7  }
0x11: {  	s6 =	sor.u32 $0x1C03, s30;
	s7 =	sadd.s32 $0x9C40, s5;
	s10 =	sadd.s32 $0x52E00, s10  }
0x12: {  	s11 =	sadd.s32 $0xB1800, s13;
	s13 =	sshrl.u32 s15, $0x3;
	s15 =	simm.s32 $0x4E80  }
.LBB2_4:
0x13: {  	[spmem:s2] =	stream.indirect.scatter.add.f32 [tilespmem:s18], [sflag:$0x2], $0x50, s31, s16, $0xb8;
	[tilespmem:$0x1DD00] =	vst v63  }
0x14: {  	_ =	swait.ge [sflag:s19], $0x2800  }
0x15: {  	[sflag:s19] =	ssyncset.done $0x0  }
0x16: {  	[sflag:s19] =	ssyncadd.s32 $0xFFFFD800  }
0x17: {  	_ =	swait.ge [sflag:s22], $0x2800  }
0x18: {  	[sflag:s22] =	ssyncset.done $0x0  }
0x19: {  	s0 =	sadd.s32 $0x5100, s30;
	[sflag:s22] =	ssyncadd.s32 $0xFFFFD800  }
0x1a: {  	[spmem:s2] =	stream.indirect.scatter.add.f32 [tilespmem:s21], [sflag:$0x2], $0x50, s0, s16, $0xb8;
	[tilespmem:$0x1DD00] =	vst v63  }
0x1b: {  	_ =	swait.ge [sflag:s22], $0x2800  }
0x1c: {  	s29 =	simm.s32 @!p0 $0x4E00;
	[sflag:s22] =	ssyncset.done $0x0  }
0x1d: {  	s30 =	simm.s32 @!p0 $0x9D00;
	s0 =	simm.s32 @!p0 $0x80;
	[sflag:s22] =	ssyncadd.s32 $0xFFFFD800  }
0x1e: {  	[tilespmem:s30], [sflag:$0x1] =	stream.indirect.gather @!p0 [hbm4b:s10+s0], $0x50, s29, s0, $0xb8;
	[tilespmem:$0x1DD00] =	vst v63  }
0x1f: {  	s29 =	simm.s32 @!p0 $0x1  }
0x20: {  	_ =	swait.ge @!p0 [sflag:s29], $0x2800  }
0x21: {  	[sflag:s29] =	ssyncset.done @!p0 $0x0  }
0x22: {  	[sflag:s29] =	ssyncadd.s32 @!p0 $0xFFFFD800;
	s29 =	simm.s32 @!p0 $0x9C80  }
0x23: {  	[spmem:s2] =	stream.indirect.scatter.add.f32 @!p0 [tilespmem:s30], [sflag:$0x3], $0x50, s29, s0, $0xb8;
	[tilespmem:$0x1DD00] =	vst v63  }
0x24: {  	s0 =	simm.s32 @!p0 $0x3  }
0x25: {  	_ =	swait.ge @!p0 [sflag:s0], $0x2800  }
0x26: {  	s28 =	sadd.s32 $0x1, s28;
	[sflag:s0] =	ssyncset.done @!p0 $0x0  }
0x27: {  	p1 =	sne.s32 s28, s12;
	[sflag:s0] =	ssyncadd.s32 @!p0 $0xFFFFD800  }
.Ltmp1:
0x28: {  	[bflag:$0x0] =	sbarrier.arrive $0xFFFF;
	(pc) =	sbr.rel @!p1 .LBB2_5-.Ltmp1, $4  }
0x29: {  	[hbm:s11], [sflag:s6] =	dma.local [spmem:s13], $0x1900  }
0x2a: {  	_ =	swait.ge [sflag:s14], $0x1900  }
0x2b: {  	[sflag:s14] =	ssyncset.done $0x0  }
0x2c: {  	[sflag:s14] =	ssyncadd.s32 $0xFFFFE700  }
.LBB2_1:
0x2d: {  	[spmem:s13], [sflag:s6] =	dma.local [hbm:s4], $0x1900  }
0x2e: {  	_ =	swait.ge [sflag:s14], $0x1900  }
0x2f: {  	[sflag:s14] =	ssyncset.done $0x0  }
0x30: {  	[sflag:s14] =	ssyncadd.s32 $0xFFFFE700  }
0x31: {  	[tilespmem:s3], [sflag:$0x3] =	stream.linear.gather [hbm4b:s5+s3], $0x4E00, $0x38;
	[tilespmem:$0x1DD00] =	vst v63  }
0x32: {  	_ =	swait.ge [sflag:s14], $0x4E00  }
0x33: {  	[sflag:s14] =	ssyncset.done $0x0  }
0x34: {  	[sflag:s14] =	ssyncadd.s32 $0xFFFFB200  }
0x35: {  	[tilespmem:s15], [sflag:$0x3] =	stream.linear.gather [hbm4b:s7+s3], $0x4E00, $0x38;
	[tilespmem:$0x1DD00] =	vst v63  }
0x36: {  	_ =	swait.ge [sflag:s14], $0x4E00  }
0x37: {  	[sflag:s14] =	ssyncset.done $0x0  }
0x38: {  	s29 =	simm.s32 @!p0 $0x0;
	s30 =	simm.s32 @!p0 $0x4E00;
	[sflag:s14] =	ssyncadd.s32 $0xFFFFB200  }
0x39: {  	[tilespmem:s30], [sflag:$0x3] =	stream.linear.gather @!p0 [hbm4b:s8+s29], $0x80, $0x38;
	[tilespmem:$0x1DD00] =	vst v63  }
0x3a: {  	s30 =	simm.s32 @!p0 $0x3  }
0x3b: {  	_ =	swait.ge @!p0 [sflag:s30], $0x80  }
0x3c: {  	[sflag:s30] =	ssyncset.done @!p0 $0x0  }
0x3d: {  	s31 =	simm.s32 @!p0 $0x9C80;
	[sflag:s30] =	ssyncadd.s32 @!p0 $0xFFFFFF80  }
0x3e: {  	[tilespmem:s31], [sflag:$0x3] =	stream.linear.gather @!p0 [hbm4b:s9+s29], $0x80, $0x38;
	[tilespmem:$0x1DD00] =	vst v63  }
0x3f: {  	_ =	swait.ge @!p0 [sflag:s30], $0x80  }
0x40: {  	[sflag:s30] =	ssyncset.done @!p0 $0x0  }
0x41: {  	[sflag:s30] =	ssyncadd.s32 @!p0 $0xFFFFFF80  }
0x42: {  	[bflag:$0x0] =	sbarrier.arrive $0xFFFF  }
0x43: {  	[tilespmem:s17], [sflag:$0x1] =	stream.indirect.gather [hbm4b:s10+s16], $0x50, s3, s16, $0xb8;
	[tilespmem:$0x1DD00] =	vst v63  }
0x44: {  	_ = 	snop  }
0x45: {  	[tilespmem:s18], [sflag:$0x1] =	stream.indirect.gather [hbm4b:s10+s16], $0x50, s16, s16, $0xb8;
	[tilespmem:$0x1DD00] =	vst v63  }
0x46: {  	_ =	swait.ge [sflag:s19], $0x2800  }
0x47: {  	[sflag:s19] =	ssyncset.done $0x0  }
0x48: {  	[sflag:s19] =	ssyncadd.s32 $0xFFFFD800  }
0x49: {  	[tilespmem:s21], [sflag:$0x1] =	stream.indirect.gather [hbm4b:s10+s16], $0x50, s20, s16, $0xb8;
	[tilespmem:$0x1DD00] =	vst v63  }
0x4a: {  	_ = 	snop  }
0x4b: {  	[spmem:s2] =	stream.indirect.scatter.add.f32 [tilespmem:s17], [sflag:$0x2], $0x50, s15, s16, $0xb8;
	[tilespmem:$0x1DD00] =	vst v63  }
0x4c: {  	_ =	swait.ge [sflag:s19], $0x2800  }
0x4d: {  	[sflag:s19] =	ssyncset.done $0x0  }
0x4e: {  	[sflag:s19] =	ssyncadd.s32 $0xFFFFD800  }
0x4f: {  	_ =	swait.ge [sflag:s22], $0x2800  }
0x50: {  	[sflag:s22] =	ssyncset.done $0x0  }
0x51: {  	[sflag:s22] =	ssyncadd.s32 $0xFFFFD800  }
0x52: {  	[tilespmem:s17], [sflag:$0x1] =	stream.indirect.gather [hbm4b:s10+s16], $0x50, s23, s16, $0xb8;
	[tilespmem:$0x1DD00] =	vst v63  }
0x53: {  	_ = 	snop  }
0x54: {  	[spmem:s2] =	stream.indirect.scatter.add.f32 [tilespmem:s18], [sflag:$0x2], $0x50, s24, s16, $0xb8;
	[tilespmem:$0x1DD00] =	vst v63  }
0x55: {  	_ =	swait.ge [sflag:s19], $0x2800  }
0x56: {  	[sflag:s19] =	ssyncset.done $0x0  }
0x57: {  	[sflag:s19] =	ssyncadd.s32 $0xFFFFD800  }
0x58: {  	_ =	swait.ge [sflag:s22], $0x2800  }
0x59: {  	[sflag:s22] =	ssyncset.done $0x0  }
0x5a: {  	[sflag:s22] =	ssyncadd.s32 $0xFFFFD800  }
0x5b: {  	[tilespmem:s18], [sflag:$0x1] =	stream.indirect.gather [hbm4b:s10+s16], $0x50, s25, s16, $0xb8;
	[tilespmem:$0x1DD00] =	vst v63  }
0x5c: {  	s29 =	simm.s32 $0x0  }
0x5d: {  	[spmem:s2] =	stream.indirect.scatter.add.f32 [tilespmem:s21], [sflag:$0x2], $0x50, s26, s16, $0xb8;
	[tilespmem:$0x1DD00] =	vst v63  }
.LBB2_2:
0x5e: {  	_ =	swait.ge [sflag:s19], $0x2800  }
0x5f: {  	[sflag:s19] =	ssyncset.done $0x0  }
0x60: {  	[sflag:s19] =	ssyncadd.s32 $0xFFFFD800  }
0x61: {  	_ =	swait.ge [sflag:s22], $0x2800  }
0x62: {  	s30 =	sshra.s32 s29, $0x2;
	[sflag:s22] =	ssyncset.done $0x0  }
0x63: {  	s31 =	sadd.s32 $0x280, s30;
	[sflag:s22] =	ssyncadd.s32 $0xFFFFD800  }
0x64: {  	[tilespmem:s21], [sflag:$0x1] =	stream.indirect.gather [hbm4b:s10+s16], $0x50, s31, s16, $0xb8;
	[tilespmem:$0x1DD00] =	vst v63  }
0x65: {  	s31 =	sadd.s32 $0x5000, s30  }
0x66: {  	[spmem:s2] =	stream.indirect.scatter.add.f32 [tilespmem:s17], [sflag:$0x2], $0x50, s31, s16, $0xb8;
	[tilespmem:$0x1DD00] =	vst v63  }
0x67: {  	p1 =	seq.s32 s29, $0x12C00;
	_ =	swait.ge [sflag:s19], $0x2800  }
.Ltmp2:
0x68: {  	[sflag:s19] =	ssyncset.done $0x0;
	(pc) =	sbr.rel @p1 .LBB2_4-.Ltmp2, $4  }
0x69: {  	[sflag:s19] =	ssyncadd.s32 $0xFFFFD800  }
0x6a: {  	_ =	swait.ge [sflag:s22], $0x2800  }
0x6b: {  	[sflag:s22] =	ssyncset.done $0x0  }
0x6c: {  	s31 =	sadd.s32 $0x5080, s30;
	[sflag:s22] =	ssyncadd.s32 $0xFFFFD800  }
0x6d: {  	s0 =	sadd.s32 $0x300, s30  }
0x6e: {  	[tilespmem:s17], [sflag:$0x1] =	stream.indirect.gather [hbm4b:s10+s16], $0x50, s0, s16, $0xb8;
	[tilespmem:$0x1DD00] =	vst v63  }
0x6f: {  	_ = 	snop  }
0x70: {  	[spmem:s2] =	stream.indirect.scatter.add.f32 [tilespmem:s18], [sflag:$0x2], $0x50, s31, s16, $0xb8;
	[tilespmem:$0x1DD00] =	vst v63  }
0x71: {  	_ =	swait.ge [sflag:s19], $0x2800  }
0x72: {  	[sflag:s19] =	ssyncset.done $0x0  }
0x73: {  	[sflag:s19] =	ssyncadd.s32 $0xFFFFD800  }
0x74: {  	_ =	swait.ge [sflag:s22], $0x2800  }
.Ltmp3:
0x75: {  	[sflag:s22] =	ssyncset.done $0x0;
	(pc) =	sbr.rel .LBB2_2-.Ltmp3, $4  }
0x76: {  	s31 =	sadd.s32 $0x380, s30;
	[sflag:s22] =	ssyncadd.s32 $0xFFFFD800  }
0x77: {  	[tilespmem:s18], [sflag:$0x1] =	stream.indirect.gather [hbm4b:s10+s16], $0x50, s31, s16, $0xb8;
	[tilespmem:$0x1DD00] =	vst v63  }
0x78: {  	s29 =	sadd.s32 $0x600, s29;
	s31 =	sadd.s32 $0x5100, s30  }
0x79: {  	[spmem:s2] =	stream.indirect.scatter.add.f32 [tilespmem:s21], [sflag:$0x2], $0x50, s31, s16, $0xb8;
	[tilespmem:$0x1DD00] =	vst v63  }
.LBB2_5:
0x7a: {  	_ =	sfence.sel $0x180000  }
0x7b: {  	[bflag:$0x0] =	sbarrier.arrive $0xFFFF  }
0x7c: {  	_ =	strace $0x9000004A  }
0x7d: {  	[bflag:$0x2] =	sbarrier.arrive $0xFFFF  }
0x7e: {  	p0 =	sne.s32 s1, $0x0;
	s0 =	rddreg [dreg:$0x2]  }
0x7f: {  	s0 =	sadd.s32 @!p0 $0x100000, s0  }
0x80: {  	[sflag:s0] =	ssyncadd.tile.s32 @!p0 $0x1;
	_ =	shalt  }
.Lfunc_end2:
_tile_overlayer_lowered:
.L_overlay_start_2:
0x81: {  	(tag) =	ssettag $0x2  }
0x82: {  	s0 =	rddreg [dreg:$0x0];
	s2 =	stileid.u32  }
0x83: {  	s1 =	rddreg [dreg:$0x1];
	p0 =	sne.s32 s2, $0x0  }
0x84: {  	s3 =	rddreg [dreg:$0x2];
	[bflag:$0x3] =	sbarrier.arrive $0xFFFF;
	s2 =	simm.s32 @!p0 $0x1C03  }
0x85: {  	[timem:s3], [sflag:s2] =	dma.local @!p0 [hbm:s0], s1  }
0x86: {  	s0 =	simm.s32 @!p0 $0x3  }
0x87: {  	_ =	swait.ge @!p0 [sflag:s0], s1  }
0x88: {  	s1 =	ssub.s32 @!p0 $0x0, s1;
	[sflag:s0] =	ssyncset.done @!p0 $0x0  }
0x89: {  	[sflag:s0] =	ssyncadd.s32 @!p0 s1  }
0x8a: {  	[bflag:$0x3] =	sbarrier.arrive $0xFFFF  }
0x8b: {  	_ =	shalt  }

// kernel: kernel.7.cloned.1.call-start
scs
__scs_entry_jumppad:
0x0: {  	(pc) =	sbr.rel $0x88, $3  }
0x1: {  	(tag) =	ssettag $0x0;
	lr =	simm.s32 $0x1  }
0x2: {  	[smem:$0x3F8C] =	sst lr;
	_ =	strace $0xD0000000  }
0x3: {  	_ = 	snop  }
0x4: {  	_ = 	snop  }
0x5: {  	_ = 	snop  }
0x6: {  	_ = 	snop  }
0x7: {  	_ = 	snop  }
__scs_overlays_trampoline_lowered:
0x8: {  	[smem:$0x3F9B] =	sst s0  }
0x9: {  	[smem:$0x3F9C] =	sst s1  }
0xa: {  	[smem:$0x3F9D] =	sst s2  }
0xb: {  	[smem:$0x3F9E] =	sst s3  }
0xc: {  	[smem:$0x3F9F] =	sst s4  }
0xd: {  	[smem:$0x3FA0] =	sst s5  }
0xe: {  	[smem:$0x3FA1] =	sst s6  }
0xf: {  	[smem:$0x3FA2] =	sst s7  }
0x10: {  	[smem:$0x3FA3] =	sst s8  }
0x11: {  	[smem:$0x3FA4] =	sst s9;
	s0 =	simm.s32 @!p0 $0x0  }
0x12: {  	s1 =	sld [smem:$0x3F8A];
	s0 =	simm.s32 @p0 $0x1  }
0x13: {  	[smem:$0x3FA5] =	sst s0;
	s0 =	simm.s32 @!p1 $0x0  }
0x14: {  	s2 =	sld [smem:$0x3F89];
	s0 =	simm.s32 @p1 $0x1  }
0x15: {  	[smem:$0x3FA6] =	sst s0;
	s0 =	simm.s32 @!p2 $0x0  }
0x16: {  	s3 =	sld [smem:$0x3FDB];
	s0 =	simm.s32 @p2 $0x1  }
0x17: {  	s4 =	simm.s32 $0x1BF5;
	[smem:$0x3FA8] =	sst s0  }
0x18: {  	s0 =	sld [smem:$0x3F8B];
	_ =	swait.ge [sflag:s4], $0x0  }
0x19: {  	s7 =	sld [smem:$0x3F8C]  }
0x1a: {  	s8 =	sadd.s32 $0xFFFFE003, lr  }
0x1b: {  	s9 =	sadd.s32 $0xFFFFFEF7, lr;
	s5 =	simm.s32 $0xFFFFFFFF;
	p2 =	slt.u32 s8, $0xFFFFF086  }
0x1c: {  	p1 =	slt.u32 s9, $0xF7A;
	s5 =	simm.s32 @!p2 $0x0  }
0x1d: {  	s5 =	simm.s32 @p1 $0x1;
	p0 =	seq.s32 s7, s2  }
0x1e: {  	s7 =	smul.u32 @!p0 $0xF7A, s2;
	p2 =	seq.s32 @!p0 s5, $0x0  }
0x1f: {  	s9 =	smul.u32 $0xF7A, s1;
	s8 =	simm.s32 @!p0 $0x1BF5;
	p2 =	por !p2, p0  }
0x20: {  	[sflag:s8] =	ssyncset.s32 @!p0 $0xFFFFF086;
	s6 =	sadd.s32 @!p0 s3, s7;
	s7 =	simm.s32 @!p0 $0x108  }
0x21: {  	s3 =	sadd.s32 s3, s9;
	s6 =	sadd.s32 @!p0 $0x88, s6;
	s7 =	simm.s32 @p2 $0x1082  }
0x22: {  	[simem:s7], [sflag:s8] =	dma.local @!p0 [hbm:s6], $0xF7A  }
0x23: {  	s9 =	sor.u32 $0xD0000000, s2;
	s6 =	simm.s32 $0x108;
	_ =	swait.ge @!p0 [sflag:s8], $0x0  }
0x24: {  	s3 =	sadd.s32 $0x88, s3;
	s6 =	simm.s32 @!p1 $0x1082;
	[sflag:s4] =	ssyncset.s32 $0xFFFFF086  }
0x25: {  	[simem:s6], [sflag:s4] =	dma.local [hbm:s3], $0xF7A  }
0x26: {  	[smem:$0x3F8C] =	sst s1;
	(tag) =	ssettag s2;
	_ =	strace s9  }
0x27: {  	s1 =	sld [smem:$0x3F9C]  }
0x28: {  	s2 =	sld [smem:$0x3F9D]  }
0x29: {  	s4 =	sld [smem:$0x3F9F]  }
0x2a: {  	p0 =	seq.s32 s5, $0x0;
	s5 =	sld [smem:$0x3FA0]  }
0x2b: {  	s6 =	sld [smem:$0x3FA1]  }
0x2c: {  	s7 =	sld [smem:$0x3FA2]  }
0x2d: {  	s3 =	simm.s32 $0x108;
	s8 =	sld [smem:$0x3FA3]  }
0x2e: {  	s3 =	simm.s32 @!p0 $0x1082;
	s9 =	sld [smem:$0x3FA4]  }
0x2f: {  	lr =	sadd.s32 s0, s3;
	s0 =	sld [smem:$0x3F9B]  }
0x30: {  	s3 =	sld [smem:$0x3F9E]  }
0x31: {  	[smem:$0x3FA7] =	sst s10  }
0x32: {  	s10 =	sld [smem:$0x3FA5];
	_ =	sdelay $0x3  }
0x33: {  	p0 =	seq.s32 s10, $0x1;
	s10 =	sld [smem:$0x3FA7];
	_ =	sdelay $0x3  }
0x34: {  	[smem:$0x3FA7] =	sst s10  }
0x35: {  	s10 =	sld [smem:$0x3FA6];
	_ =	sdelay $0x3  }
0x36: {  	p1 =	seq.s32 s10, $0x1;
	s10 =	sld [smem:$0x3FA7];
	_ =	sdelay $0x3  }
0x37: {  	[smem:$0x3FA7] =	sst s10  }
0x38: {  	s10 =	sld [smem:$0x3FA8]  }
0x39: {  	_ = 	snop;
	(pc) =	sbr.ind lr, $3  }
0x3a: {  	_ = 	snop  }
0x3b: {  	_ = 	snop  }
0x3c: {  	p2 =	seq.s32 s10, $0x1;
	s10 =	sld [smem:$0x3FA7]  }
0x3d: {  	_ =	shalt  }
0x3e: {  	_ =	shalt  }
0x3f: {  	_ =	shalt  }
0x40: {  	_ =	shalt  }
0x41: {  	_ =	shalt  }
0x42: {  	_ =	shalt  }
0x43: {  	_ =	shalt  }
0x44: {  	_ =	shalt  }
0x45: {  	_ =	shalt  }
0x46: {  	_ =	shalt  }
0x47: {  	_ =	shalt  }
0x48: {  	_ =	shalt  }
0x49: {  	_ =	shalt  }
0x4a: {  	_ =	shalt  }
0x4b: {  	_ =	shalt  }
0x4c: {  	_ =	shalt  }
0x4d: {  	_ =	shalt  }
0x4e: {  	_ =	shalt  }
0x4f: {  	_ =	shalt  }
0x50: {  	_ =	shalt  }
0x51: {  	_ =	shalt  }
0x52: {  	_ =	shalt  }
0x53: {  	_ =	shalt  }
0x54: {  	_ =	shalt  }
0x55: {  	_ =	shalt  }
0x56: {  	_ =	shalt  }
0x57: {  	_ =	shalt  }
0x58: {  	_ =	shalt  }
0x59: {  	_ =	shalt  }
0x5a: {  	_ =	shalt  }
0x5b: {  	_ =	shalt  }
0x5c: {  	_ =	shalt  }
0x5d: {  	_ =	shalt  }
0x5e: {  	_ =	shalt  }
0x5f: {  	_ =	shalt  }
0x60: {  	_ =	shalt  }
0x61: {  	_ =	shalt  }
0x62: {  	_ =	shalt  }
0x63: {  	_ =	shalt  }
0x64: {  	_ =	shalt  }
0x65: {  	_ =	shalt  }
0x66: {  	_ =	shalt  }
0x67: {  	_ =	shalt  }
0x68: {  	_ =	shalt  }
0x69: {  	_ =	shalt  }
0x6a: {  	_ =	shalt  }
0x6b: {  	_ =	shalt  }
0x6c: {  	_ =	shalt  }
0x6d: {  	_ =	shalt  }
0x6e: {  	_ =	shalt  }
0x6f: {  	_ =	shalt  }
0x70: {  	_ =	shalt  }
0x71: {  	_ =	shalt  }
0x72: {  	_ =	shalt  }
0x73: {  	_ =	shalt  }
0x74: {  	_ =	shalt  }
0x75: {  	_ =	shalt  }
0x76: {  	_ =	shalt  }
0x77: {  	_ =	shalt  }
0x78: {  	_ =	shalt  }
0x79: {  	_ =	shalt  }
0x7a: {  	_ =	shalt  }
0x7b: {  	_ =	shalt  }
0x7c: {  	_ =	shalt  }
0x7d: {  	_ =	shalt  }
0x7e: {  	_ =	shalt  }
0x7f: {  	_ =	shalt  }
0x80: {  	_ =	shalt  }
0x81: {  	_ =	shalt  }
0x82: {  	_ =	shalt  }
0x83: {  	_ =	shalt  }
0x84: {  	_ =	shalt  }
0x85: {  	_ =	shalt  }
0x86: {  	_ =	shalt  }
0x87: {  	_ =	shalt  }
.Lfunc_end0:
.L_simem_size_0:
called_computation_lowered:
.L_overlay_start_0:
0x88: {  	s2 =	sld [smem:$0x3FD9]  }
0x89: {  	s3 =	sld [smem:$0x3FFE];
	_ =	sdelay $0x1  }
0x8a: {  	s1 =	srdreg.scid  }
0x8b: {  	s0 =	sand.u32 $0x1, s1  }
0x8c: {  	s16 =	sshll.u32 s0, $0xA;
	s2 =	sadd.s32 s3, s2  }
0x8d: {  	s2 =	sadd.s32 s2, s16  }
0x8e: {  	[smem:$0x3FB3] =	sst s2  }
0x8f: {  	_ = 	snop  }
0x90: {  	(tm) =	ssettm $0x1  }
0x91: {  	s17 =	sld [smem:$0x3FFB];
	_ =	sdelay $0x3  }
0x92: {  	_ =	strace s17  }
0x93: {  	s2 =	sld [smem:$0x3FFC];
	_ =	sdelay $0x3  }
0x94: {  	_ =	strace s2  }
0x95: {  	s2 =	sld [smem:$0x3FFD];
	_ =	sdelay $0x3  }
0x96: {  	_ =	strace s2  }
0x97: {  	_ =	strace $0x8FFFFFFF  }
0x98: {  	s18 =	sld [smem:$0x3FDB];
	_ =	sdelay $0x1  }
0x99: {  	s19 =	simm.s32 $_scs_section_size  }
0x9a: {  	s4 =	simm.s32 $_size__tile_overlayer_lowered;
	s5 =	simm.s32 $_tile_overlayer_lowered  }
0x9b: {  	s22 =	simm.s32 $0x1BFF;
	s21 =	sshll.u32 s5, $0x1;
	s2 =	sadd.s32 s19, s18  }
0x9c: {  	s6 =	simm.s32 $0x0;
	s20 =	sshll.u32 s4, $0x1;
	s4 =	sadd.s32 s21, s2  }
0x9d: {  	[timem:s6], [sflag:s22] =	dma.local [hbm:s4], s20  }
0x9e: {  	_ =	swait.ge [sflag:s22], s20  }
0x9f: {  	s3 =	ssub.s32 $0x0, s20;
	[sflag:s22] =	ssyncset.done $0x0  }
0xa0: {  	[sflag:s22] =	ssyncadd.s32 s3;
	_ =	sdelay $0x1  }
0xa1: {  	s23 =	simm.s32 $0x1B8B  }
0xa2: {  	_ =	swait.ge [sflag:s23], $0x1  }
0xa3: {  	[sflag:s23] =	ssyncset.done $0x0  }
0xa4: {  	s25 =	simm.s32 $0x1B8E;
	s24 =	sld [smem:$0x3FFE];
	[sflag:s23] =	ssyncadd.s32 $0xFFFFFFFF  }
0xa5: {  	s26 =	simm.s32 $execute0_lowered;
	[smem:$0x3FD2] =	sst s25  }
0xa6: {  	s4 =	sshll.u32 s26, $0x1;
	_ =	strace $0x80000046;
	[dreg:$0x1] =	wrdreg $0xFFFFFFFF  }
0xa7: {  	s28 =	simm.s32 $_size_execute0_lowered;
	s2 =	sadd.s32 s2, s4;
	[dreg:$0x0] =	wrdreg $0x0  }
0xa8: {  	s4 =	sshll.u32 s28, $0x1;
	[dreg:$0x2] =	wrdreg s2  }
0xa9: {  	[dreg:$0x3] =	wrdreg s4  }
0xaa: {  	[dreg:$0x4] =	wrdreg $0xC0  }
0xab: {  	_ =	task [dreg:s6], $0x5FFFF  }
0xac: {  	[dreg:$0x1] =	wrdreg $0xFFFFFFFF  }
0xad: {  	[dreg:$0x0] =	wrdreg $0x60  }
0xae: {  	[dreg:$0x2] =	wrdreg s24  }
0xaf: {  	[dreg:$0x3] =	wrdreg $0x115000  }
0xb0: {  	[dreg:$0x4] =	wrdreg $0x9  }
0xb1: {  	_ =	task.clear_ibuf [dreg:s6], $0x5FFFF;
	_ =	strace $0x90000046  }
0xb2: {  	s29 =	simm.s32 $0x9;
	_ =	strace $0x80000048  }
0xb3: {  	_ =	swait.ge [sflag:s29], $0x1  }
0xb4: {  	[sflag:s29] =	ssyncadd.s32 $0xFFFFFFFF  }
0xb5: {  	_ =	strace $0x90000048  }
0xb6: {  	_ =	sfence  }
0xb7: {  	s30 =	sld [smem:$0x0];
	_ =	sdelay $0x2  }
0xb8: {  	s31 =	sshll.u32 s1, $0xD;
	s1 =	sshrl.u32 s1, $0x2  }
0xb9: {  	s3 =	sand.u32 $0x4000, s31;
	s1 =	sadd.s32 s1, s30  }
0xba: {  	s0 =	sor.u32 s3, s0;
	s1 =	sshll.u32 s1, $0x11  }
0xbb: {  	s0 =	sor.u32 s1, s0  }
0xbc: {  	s0 =	sadd.s32 $0x8F2B, s0  }
0xbd: {  	[sflag:s0] =	ssyncadd.remote.s32 $0x1  }
0xbe: {  	_ =	sfence.sel $0xFFFF  }
0xbf: {  	[dreg:$0x0] =	wrdreg $0xFFFFFFFF;
	(pc) =	sbr.abs _section_cstart, $3  }
0xc0: {  	[dreg:$0x1] =	wrdreg $0xFFFFFFFF  }
0xc1: {  	_ =	task.clear_ibuf [dreg:s6], $0x2FFFF;
	_ =	strace $0x9FFFFFFF  }
0xc2: {  	(tm) =	ssettm $0x7FFFFFFF  }
0xc3: {  	_ =	shalt  }
tec
execute0_lowered:
.L_overlay_start_1:
0x0: {  	(tag) =	ssettag $0x1  }
0x1: {  	s0 =	srdreg.scid;
	s4 =	rddreg [dreg:$0x0]  }
0x2: {  	s2 =	rddreg [dreg:$0x1];
	s3 =	simm.s32 $0x0;
	s1 =	stileid.u32  }
0x3: {  	s16 =	simm.s32 $0x80;
	s17 =	simm.s32 $0x9D00;
	s18 =	simm.s32 $0xC500  }
0x4: {  	s19 =	simm.s32 $0x1;
	s20 =	simm.s32 $0x100;
	s21 =	simm.s32 $0xED00  }
0x5: {  	s22 =	simm.s32 $0x2;
	s23 =	simm.s32 $0x180;
	s24 =	simm.s32 $0x4F00  }
0x6: {  	s25 =	simm.s32 $0x200;
	s28 =	simm.s32 $0x0;
	s5 =	sand.u32 $0x1, s0  }
0x7: {  	[smem:$0x7FF] =	sst s3;
	s8 =	smul.u32 $0xC800, s1;
	s9 =	sadd.s32 $0x84E00, s4  }
0x8: {  	s12 =	smul.u32 $0x4E00, s1;
	s30 =	sshll.u32 s1, $0x6;
	s31 =	sshll.u32 s1, $0x4  }
0x9: {  	p0 =	sgt.u32 s1, $0x3;
	s6 =	smul.u32 $0xC8000, s5;
	s5 =	ssub.s32 $0x2, s5  }
0xa: {  	_ =	strace $0x80000047;
	s26 =	sshrl.u32 s8, $0x3;
	s11 =	sshrl.u32 s5, $0x1  }
0xb: {  	s15 =	sadd.s32 s8, s2;
	s29 =	sshrl.u32 s12, $0x3;
	s7 =	sshrl.u32 s6, $0x3  }
0xc: {  	s6 =	sadd.s32 s8, s6;
	s14 =	ssub.s32 s5, s11;
	s5 =	sadd.s32 s9, s29  }
0xd: {  	s9 =	sadd.s32 s31, s9;
	s10 =	sadd.s32 s7, s4;
	s6 =	sshrl.u32 s6, $0x3  }
.Ltmp0:
0xe: {  	s7 =	sadd.s32 s26, s4;
	s8 =	sadd.s32 $0x9C00, s9;
	(pc) =	sbr.rel .LBB2_1-.Ltmp0, $4  }
0xf: {  	s9 =	sadd.s32 $0x13840, s9;
	s12 =	smax.u32 s14, $0x1;
	s14 =	simm.s32 $0x3  }
0x10: {  	s26 =	simm.s32 $0x4F80;
	s13 =	sadd.s32 s6, s4;
	s4 =	sadd.s32 $0x98800, s7  }
0x11: {  	s6 =	sor.u32 $0x1C03, s30;
	s7 =	sadd.s32 $0x9C40, s5;
	s10 =	sadd.s32 $0x52E00, s10  }
0x12: {  	s11 =	sadd.s32 $0xB1800, s13;
	s13 =	sshrl.u32 s15, $0x3;
	s15 =	simm.s32 $0x4E80  }
.LBB2_4:
0x13: {  	[spmem:s2] =	stream.indirect.scatter.add.f32 [tilespmem:s18], [sflag:$0x2], $0x50, s31, s16, $0xb8;
	[tilespmem:$0x1DD00] =	vst v63  }
0x14: {  	_ =	swait.ge [sflag:s19], $0x2800  }
0x15: {  	[sflag:s19] =	ssyncset.done $0x0  }
0x16: {  	[sflag:s19] =	ssyncadd.s32 $0xFFFFD800  }
0x17: {  	_ =	swait.ge [sflag:s22], $0x2800  }
0x18: {  	[sflag:s22] =	ssyncset.done $0x0  }
0x19: {  	s0 =	sadd.s32 $0x5100, s30;
	[sflag:s22] =	ssyncadd.s32 $0xFFFFD800  }
0x1a: {  	[spmem:s2] =	stream.indirect.scatter.add.f32 [tilespmem:s21], [sflag:$0x2], $0x50, s0, s16, $0xb8;
	[tilespmem:$0x1DD00] =	vst v63  }
0x1b: {  	_ =	swait.ge [sflag:s22], $0x2800  }
0x1c: {  	s29 =	simm.s32 @!p0 $0x4E00;
	[sflag:s22] =	ssyncset.done $0x0  }
0x1d: {  	s30 =	simm.s32 @!p0 $0x9D00;
	s0 =	simm.s32 @!p0 $0x80;
	[sflag:s22] =	ssyncadd.s32 $0xFFFFD800  }
0x1e: {  	[tilespmem:s30], [sflag:$0x1] =	stream.indirect.gather @!p0 [hbm4b:s10+s0], $0x50, s29, s0, $0xb8;
	[tilespmem:$0x1DD00] =	vst v63  }
0x1f: {  	s29 =	simm.s32 @!p0 $0x1  }
0x20: {  	_ =	swait.ge @!p0 [sflag:s29], $0x2800  }
0x21: {  	[sflag:s29] =	ssyncset.done @!p0 $0x0  }
0x22: {  	[sflag:s29] =	ssyncadd.s32 @!p0 $0xFFFFD800;
	s29 =	simm.s32 @!p0 $0x9C80  }
0x23: {  	[spmem:s2] =	stream.indirect.scatter.add.f32 @!p0 [tilespmem:s30], [sflag:$0x3], $0x50, s29, s0, $0xb8;
	[tilespmem:$0x1DD00] =	vst v63  }
0x24: {  	s0 =	simm.s32 @!p0 $0x3  }
0x25: {  	_ =	swait.ge @!p0 [sflag:s0], $0x2800  }
0x26: {  	s28 =	sadd.s32 $0x1, s28;
	[sflag:s0] =	ssyncset.done @!p0 $0x0  }
0x27: {  	p1 =	sne.s32 s28, s12;
	[sflag:s0] =	ssyncadd.s32 @!p0 $0xFFFFD800  }
.Ltmp1:
0x28: {  	[bflag:$0x0] =	sbarrier.arrive $0xFFFF;
	(pc) =	sbr.rel @!p1 .LBB2_5-.Ltmp1, $4  }
0x29: {  	[hbm:s11], [sflag:s6] =	dma.local [spmem:s13], $0x1900  }
0x2a: {  	_ =	swait.ge [sflag:s14], $0x1900  }
0x2b: {  	[sflag:s14] =	ssyncset.done $0x0  }
0x2c: {  	[sflag:s14] =	ssyncadd.s32 $0xFFFFE700  }
.LBB2_1:
0x2d: {  	[spmem:s13], [sflag:s6] =	dma.local [hbm:s4], $0x1900  }
0x2e: {  	_ =	swait.ge [sflag:s14], $0x1900  }
0x2f: {  	[sflag:s14] =	ssyncset.done $0x0  }
0x30: {  	[sflag:s14] =	ssyncadd.s32 $0xFFFFE700  }
0x31: {  	[tilespmem:s3], [sflag:$0x3] =	stream.linear.gather [hbm4b:s5+s3], $0x4E00, $0x38;
	[tilespmem:$0x1DD00] =	vst v63  }
0x32: {  	_ =	swait.ge [sflag:s14], $0x4E00  }
0x33: {  	[sflag:s14] =	ssyncset.done $0x0  }
0x34: {  	[sflag:s14] =	ssyncadd.s32 $0xFFFFB200  }
0x35: {  	[tilespmem:s15], [sflag:$0x3] =	stream.linear.gather [hbm4b:s7+s3], $0x4E00, $0x38;
	[tilespmem:$0x1DD00] =	vst v63  }
0x36: {  	_ =	swait.ge [sflag:s14], $0x4E00  }
0x37: {  	[sflag:s14] =	ssyncset.done $0x0  }
0x38: {  	s29 =	simm.s32 @!p0 $0x0;
	s30 =	simm.s32 @!p0 $0x4E00;
	[sflag:s14] =	ssyncadd.s32 $0xFFFFB200  }
0x39: {  	[tilespmem:s30], [sflag:$0x3] =	stream.linear.gather @!p0 [hbm4b:s8+s29], $0x80, $0x38;
	[tilespmem:$0x1DD00] =	vst v63  }
0x3a: {  	s30 =	simm.s32 @!p0 $0x3  }
0x3b: {  	_ =	swait.ge @!p0 [sflag:s30], $0x80  }
0x3c: {  	[sflag:s30] =	ssyncset.done @!p0 $0x0  }
0x3d: {  	s31 =	simm.s32 @!p0 $0x9C80;
	[sflag:s30] =	ssyncadd.s32 @!p0 $0xFFFFFF80  }
0x3e: {  	[tilespmem:s31], [sflag:$0x3] =	stream.linear.gather @!p0 [hbm4b:s9+s29], $0x80, $0x38;
	[tilespmem:$0x1DD00] =	vst v63  }
0x3f: {  	_ =	swait.ge @!p0 [sflag:s30], $0x80  }
0x40: {  	[sflag:s30] =	ssyncset.done @!p0 $0x0  }
0x41: {  	[sflag:s30] =	ssyncadd.s32 @!p0 $0xFFFFFF80  }
0x42: {  	[bflag:$0x0] =	sbarrier.arrive $0xFFFF  }
0x43: {  	[tilespmem:s17], [sflag:$0x1] =	stream.indirect.gather [hbm4b:s10+s16], $0x50, s3, s16, $0xb8;
	[tilespmem:$0x1DD00] =	vst v63  }
0x44: {  	_ = 	snop  }
0x45: {  	[tilespmem:s18], [sflag:$0x1] =	stream.indirect.gather [hbm4b:s10+s16], $0x50, s16, s16, $0xb8;
	[tilespmem:$0x1DD00] =	vst v63  }
0x46: {  	_ =	swait.ge [sflag:s19], $0x2800  }
0x47: {  	[sflag:s19] =	ssyncset.done $0x0  }
0x48: {  	[sflag:s19] =	ssyncadd.s32 $0xFFFFD800  }
0x49: {  	[tilespmem:s21], [sflag:$0x1] =	stream.indirect.gather [hbm4b:s10+s16], $0x50, s20, s16, $0xb8;
	[tilespmem:$0x1DD00] =	vst v63  }
0x4a: {  	_ = 	snop  }
0x4b: {  	[spmem:s2] =	stream.indirect.scatter.add.f32 [tilespmem:s17], [sflag:$0x2], $0x50, s15, s16, $0xb8;
	[tilespmem:$0x1DD00] =	vst v63  }
0x4c: {  	_ =	swait.ge [sflag:s19], $0x2800  }
0x4d: {  	[sflag:s19] =	ssyncset.done $0x0  }
0x4e: {  	[sflag:s19] =	ssyncadd.s32 $0xFFFFD800  }
0x4f: {  	_ =	swait.ge [sflag:s22], $0x2800  }
0x50: {  	[sflag:s22] =	ssyncset.done $0x0  }
0x51: {  	[sflag:s22] =	ssyncadd.s32 $0xFFFFD800  }
0x52: {  	[tilespmem:s17], [sflag:$0x1] =	stream.indirect.gather [hbm4b:s10+s16], $0x50, s23, s16, $0xb8;
	[tilespmem:$0x1DD00] =	vst v63  }
0x53: {  	_ = 	snop  }
0x54: {  	[spmem:s2] =	stream.indirect.scatter.add.f32 [tilespmem:s18], [sflag:$0x2], $0x50, s24, s16, $0xb8;
	[tilespmem:$0x1DD00] =	vst v63  }
0x55: {  	_ =	swait.ge [sflag:s19], $0x2800  }
0x56: {  	[sflag:s19] =	ssyncset.done $0x0  }
0x57: {  	[sflag:s19] =	ssyncadd.s32 $0xFFFFD800  }
0x58: {  	_ =	swait.ge [sflag:s22], $0x2800  }
0x59: {  	[sflag:s22] =	ssyncset.done $0x0  }
0x5a: {  	[sflag:s22] =	ssyncadd.s32 $0xFFFFD800  }
0x5b: {  	[tilespmem:s18], [sflag:$0x1] =	stream.indirect.gather [hbm4b:s10+s16], $0x50, s25, s16, $0xb8;
	[tilespmem:$0x1DD00] =	vst v63  }
0x5c: {  	s29 =	simm.s32 $0x0  }
0x5d: {  	[spmem:s2] =	stream.indirect.scatter.add.f32 [tilespmem:s21], [sflag:$0x2], $0x50, s26, s16, $0xb8;
	[tilespmem:$0x1DD00] =	vst v63  }
.LBB2_2:
0x5e: {  	_ =	swait.ge [sflag:s19], $0x2800  }
0x5f: {  	[sflag:s19] =	ssyncset.done $0x0  }
0x60: {  	[sflag:s19] =	ssyncadd.s32 $0xFFFFD800  }
0x61: {  	_ =	swait.ge [sflag:s22], $0x2800  }
0x62: {  	s30 =	sshra.s32 s29, $0x2;
	[sflag:s22] =	ssyncset.done $0x0  }
0x63: {  	s31 =	sadd.s32 $0x280, s30;
	[sflag:s22] =	ssyncadd.s32 $0xFFFFD800  }
0x64: {  	[tilespmem:s21], [sflag:$0x1] =	stream.indirect.gather [hbm4b:s10+s16], $0x50, s31, s16, $0xb8;
	[tilespmem:$0x1DD00] =	vst v63  }
0x65: {  	s31 =	sadd.s32 $0x5000, s30  }
0x66: {  	[spmem:s2] =	stream.indirect.scatter.add.f32 [tilespmem:s17], [sflag:$0x2], $0x50, s31, s16, $0xb8;
	[tilespmem:$0x1DD00] =	vst v63  }
0x67: {  	p1 =	seq.s32 s29, $0x12C00;
	_ =	swait.ge [sflag:s19], $0x2800  }
.Ltmp2:
0x68: {  	[sflag:s19] =	ssyncset.done $0x0;
	(pc) =	sbr.rel @p1 .LBB2_4-.Ltmp2, $4  }
0x69: {  	[sflag:s19] =	ssyncadd.s32 $0xFFFFD800  }
0x6a: {  	_ =	swait.ge [sflag:s22], $0x2800  }
0x6b: {  	[sflag:s22] =	ssyncset.done $0x0  }
0x6c: {  	s31 =	sadd.s32 $0x5080, s30;
	[sflag:s22] =	ssyncadd.s32 $0xFFFFD800  }
0x6d: {  	s0 =	sadd.s32 $0x300, s30  }
0x6e: {  	[tilespmem:s17], [sflag:$0x1] =	stream.indirect.gather [hbm4b:s10+s16], $0x50, s0, s16, $0xb8;
	[tilespmem:$0x1DD00] =	vst v63  }
0x6f: {  	_ = 	snop  }
0x70: {  	[spmem:s2] =	stream.indirect.scatter.add.f32 [tilespmem:s18], [sflag:$0x2], $0x50, s31, s16, $0xb8;
	[tilespmem:$0x1DD00] =	vst v63  }
0x71: {  	_ =	swait.ge [sflag:s19], $0x2800  }
0x72: {  	[sflag:s19] =	ssyncset.done $0x0  }
0x73: {  	[sflag:s19] =	ssyncadd.s32 $0xFFFFD800  }
0x74: {  	_ =	swait.ge [sflag:s22], $0x2800  }
.Ltmp3:
0x75: {  	[sflag:s22] =	ssyncset.done $0x0;
	(pc) =	sbr.rel .LBB2_2-.Ltmp3, $4  }
0x76: {  	s31 =	sadd.s32 $0x380, s30;
	[sflag:s22] =	ssyncadd.s32 $0xFFFFD800  }
0x77: {  	[tilespmem:s18], [sflag:$0x1] =	stream.indirect.gather [hbm4b:s10+s16], $0x50, s31, s16, $0xb8;
	[tilespmem:$0x1DD00] =	vst v63  }
0x78: {  	s29 =	sadd.s32 $0x600, s29;
	s31 =	sadd.s32 $0x5100, s30  }
0x79: {  	[spmem:s2] =	stream.indirect.scatter.add.f32 [tilespmem:s21], [sflag:$0x2], $0x50, s31, s16, $0xb8;
	[tilespmem:$0x1DD00] =	vst v63  }
.LBB2_5:
0x7a: {  	_ =	sfence.sel $0x180000  }
0x7b: {  	[bflag:$0x0] =	sbarrier.arrive $0xFFFF  }
0x7c: {  	_ =	strace $0x90000047  }
0x7d: {  	[bflag:$0x2] =	sbarrier.arrive $0xFFFF  }
0x7e: {  	p0 =	sne.s32 s1, $0x0;
	s0 =	rddreg [dreg:$0x2]  }
0x7f: {  	s0 =	sadd.s32 @!p0 $0x100000, s0  }
0x80: {  	[sflag:s0] =	ssyncadd.tile.s32 @!p0 $0x1;
	_ =	shalt  }
.Lfunc_end2:
_tile_overlayer_lowered:
.L_overlay_start_2:
0x81: {  	(tag) =	ssettag $0x2  }
0x82: {  	s0 =	rddreg [dreg:$0x0];
	s2 =	stileid.u32  }
0x83: {  	s1 =	rddreg [dreg:$0x1];
	p0 =	sne.s32 s2, $0x0  }
0x84: {  	s3 =	rddreg [dreg:$0x2];
	[bflag:$0x3] =	sbarrier.arrive $0xFFFF;
	s2 =	simm.s32 @!p0 $0x1C03  }
0x85: {  	[timem:s3], [sflag:s2] =	dma.local @!p0 [hbm:s0], s1  }
0x86: {  	s0 =	simm.s32 @!p0 $0x3  }
0x87: {  	_ =	swait.ge @!p0 [sflag:s0], s1  }
0x88: {  	s1 =	ssub.s32 @!p0 $0x0, s1;
	[sflag:s0] =	ssyncset.done @!p0 $0x0  }
0x89: {  	[sflag:s0] =	ssyncadd.s32 @!p0 s1  }
0x8a: {  	[bflag:$0x3] =	sbarrier.arrive $0xFFFF  }
0x8b: {  	_ =	shalt  }

</sc_bundles>
